<compile_context>
chip_gen: v7x
topology: tpu7x:2x2x1
jax: 0.10.2.dev20260603
libtpu: 0.0.44.dev20260713+nightly
codegen_flags: <defaults>
</compile_context>

<pallas_src>
import jax
import jax.numpy as jnp
from jax import lax
from jax.experimental import pallas as pl
from jax.experimental.pallas import tpu as pltpu
from jax.experimental.pallas import tpu_sc as plsc

_EMBED = 64
_NC = 2
_NS = 16
_NW = _NC * _NS

_IDXROW = 128
_SUB = 2
_CH = _IDXROW * _SUB
_GBUF = 4
_GLEAD = 2

_BT = 128
_TBUF = 4
_TLEAD = 2


def _gather_body(idx_hbm, table_hbm, out_hbm, idx_v, rows_v, gsem, ssem):
    n_rows_w = idx_v.shape[0]
    n_chunks = n_rows_w // _SUB
    wid = lax.axis_index("s") * _NC + lax.axis_index("c")
    base = wid * (n_rows_w * _IDXROW)

    pltpu.sync_copy(idx_hbm.at[wid], idx_v)

    def gather_start(b, c):
        for j in range(_SUB):
            pltpu.async_copy(
                table_hbm.at[idx_v.at[c * _SUB + j]],
                rows_v.at[b, pl.ds(j * _IDXROW, _IDXROW)],
                gsem.at[b],
            )

    def gather_wait(b):
        for j in range(_SUB):
            pltpu.make_async_copy(
                table_hbm.at[idx_v.at[0]],
                rows_v.at[b, pl.ds(j * _IDXROW, _IDXROW)],
                gsem.at[b],
            ).wait()

    def store_start(b, c):
        pltpu.async_copy(
            rows_v.at[b], out_hbm.at[pl.ds(base + c * _CH, _CH)], ssem.at[b]
        )

    def store_wait(b):
        pltpu.make_async_copy(
            rows_v.at[b], out_hbm.at[pl.ds(0, _CH)], ssem.at[b]
        ).wait()

    for c in range(_GLEAD):
        gather_start(c % _GBUF, c)
    for c in range(_GBUF - _GLEAD):
        gather_start((c + _GLEAD) % _GBUF, c + _GLEAD)
        gather_wait(c % _GBUF)
        store_start(c % _GBUF, c)

    lo, hi = _GBUF - _GLEAD, n_chunks - _GLEAD

    @pl.loop(lo, lo + ((hi - lo) // _GBUF) * _GBUF, step=_GBUF)
    def _steady(c0):
        for j in range(_GBUF):
            c = c0 + j
            bf = (lo + j + _GLEAD) % _GBUF
            store_wait(bf)
            gather_start(bf, c + _GLEAD)
            b = (lo + j) % _GBUF
            gather_wait(b)
            store_start(b, c)

    for c in range(lo + ((hi - lo) // _GBUF) * _GBUF, n_chunks):
        if c < hi:
            bf = (c + _GLEAD) % _GBUF
            store_wait(bf)
            gather_start(bf, c + _GLEAD)
        gather_wait(c % _GBUF)
        store_start(c % _GBUF, c)
    for b in range(_GBUF):
        store_wait(b)


def kernel(x, word_embedding):
    batch, seq = x.shape
    vocab, embed = word_embedding.shape
    total = batch * seq
    n_rows_w = total // (_NW * _IDXROW)
    n_btiles = batch // _BT
    idx = x.reshape(_NW, n_rows_w, _IDXROW).astype(jnp.int32)

    mesh = plsc.VectorSubcoreMesh(core_axis_name="c", subcore_axis_name="s")
    grab = pl.kernel(
        _gather_body,
        out_type=jax.ShapeDtypeStruct((total, embed), jnp.float32),
        mesh=mesh,
        scratch_types=[
            pltpu.VMEM((n_rows_w, _IDXROW), jnp.int32),
            pltpu.VMEM((_GBUF, _CH, embed), jnp.float32),
            pltpu.SemaphoreType.DMA((_GBUF,)),
            pltpu.SemaphoreType.DMA((_GBUF,)),
        ],
        compiler_params=pltpu.CompilerParams(use_tc_tiling_on_sc=False),
    )
    y2 = grab(idx, word_embedding)
    return y2.reshape(batch, seq, embed)

# --- scband reference (transcript-rebuilt; emitter-appended) ---
"""Pipeline reference for scband-embedder-31997506355559 (READ-ONLY COPY).

The authoritative reference and input builder live on the scoring server;
editing this copy changes nothing except your own understanding.
"""

import jax, jax.numpy as jnp
import numpy as np

VOCAB = 1000000
EMBED = 64
BATCH = 4096
SEQ = 200

def setup_inputs(seed: int = 0) -> dict:
    key = jax.random.key(seed)
    k_idx, k_tab = jax.random.split(key)
    x = jax.random.randint(k_idx, (BATCH, SEQ), 0, VOCAB, dtype=jnp.int64 if jax.config.jax_enable_x64 else jnp.int32)
    word_embedding = jax.random.normal(k_tab, (VOCAB, EMBED), dtype=jnp.float32)
    return {"x": x, "word_embedding": word_embedding}

def reference(x, word_embedding):
    # Embedder.forward with extra_inputs=None: word_embeds = self.word_embedding(x)
    word_embeds = jnp.take(word_embedding, x, axis=0)
    return word_embeds

if __name__ == "__main__":
    import jax
    _d = setup_inputs()
    print(jax.jit(kernel)(*tuple(_d.values())))

</pallas_src>

<mosaic_0001>
#map = affine_map<(d0, d1) -> (0, 0, 0)>
#map1 = affine_map<(d0, d1) -> (0, 0)>
module attributes {stable_mosaic.version = 14 : i64} {
  func.func @_gather_body(%arg0: i32, %arg1: i32, %arg2: memref<32x200x128xi32, #tpu.memory_space<hbm>>, %arg3: memref<1000000x64xf32, #tpu.memory_space<hbm>>, %arg4: memref<819200x64xf32, #tpu.memory_space<hbm>>, %arg5: memref<200x128xi32, #tpu.memory_space<vmem>>, %arg6: memref<4x256x64xf32, #tpu.memory_space<vmem>>, %arg7: memref<4x!tpu.dma_semaphore, #tpu.memory_space<semaphore_mem>>, %arg8: memref<4x!tpu.dma_semaphore, #tpu.memory_space<semaphore_mem>>) attributes {dimension_semantics = [#tpu.dimension_semantics<core_parallel>, #tpu.dimension_semantics<subcore_parallel>], iteration_bounds = array<i64: 2, 16>, scalar_prefetch = 0 : i64, scratch_operands = 4 : i64, tpu.core_type = #tpu.core_type<sc_vector_subcore>, window_params = [{transform_indices = #map}, {transform_indices = #map1}, {transform_indices = #map1}]} {
    %mul3A = arith.constant 2 : i32
    %mul3A_0 = arith.muli %arg1, %mul3A : i32
    %add3A = arith.addi %mul3A_0, %arg0 : i32
    %mul3A_1 = arith.constant 25600 : i32
    %mul3A_2 = arith.muli %add3A, %mul3A_1 : i32
    "tpu.region"() ({
      %run_scoped3A = tpu.sem_alloc : memref<!tpu.dma_semaphore, #tpu.memory_space<semaphore_mem>>
      %dma_start3A_389 = arith.constant 0 : i32
      %dma_start3A_390 = arith.constant 0 : i32
      %dma_start3A_391 = tpu.memref_slice %arg2[%add3A, %dma_start3A_389, %dma_start3A_390] : memref<32x200x128xi32, #tpu.memory_space<hbm>> -> memref<1x200x128xi32, #tpu.memory_space<hbm>>
      %dma_start3A_392 = tpu.memref_squeeze %dma_start3A_391 : memref<1x200x128xi32, #tpu.memory_space<hbm>> -> memref<200x128xi32, #tpu.memory_space<hbm>>
      %dma_start3A_393 = arith.constant 0 : i32
      %dma_start3A_394 = arith.constant 0 : i32
      %dma_start3A_395 = tpu.memref_slice %arg2[%add3A, %dma_start3A_393, %dma_start3A_394] : memref<32x200x128xi32, #tpu.memory_space<hbm>> -> memref<1x200x128xi32, #tpu.memory_space<hbm>>
      %dma_start3A_396 = tpu.memref_squeeze %dma_start3A_395 : memref<1x200x128xi32, #tpu.memory_space<hbm>> -> memref<200x128xi32, #tpu.memory_space<hbm>>
      tpu.enqueue_dma source(%dma_start3A_396 : memref<200x128xi32, #tpu.memory_space<hbm>>) target(%arg5 : memref<200x128xi32, #tpu.memory_space<vmem>>) target_semaphore(%run_scoped3A : memref<!tpu.dma_semaphore, #tpu.memory_space<semaphore_mem>>)
      %dma_wait3A_397 = arith.constant 0 : i32
      %dma_wait3A_398 = arith.constant 0 : i32
      %dma_wait3A_399 = tpu.memref_slice %arg2[%add3A, %dma_wait3A_397, %dma_wait3A_398] : memref<32x200x128xi32, #tpu.memory_space<hbm>> -> memref<1x200x128xi32, #tpu.memory_space<hbm>>
      %dma_wait3A_400 = tpu.memref_squeeze %dma_wait3A_399 : memref<1x200x128xi32, #tpu.memory_space<hbm>> -> memref<200x128xi32, #tpu.memory_space<hbm>>
      %dma_wait3A_401 = arith.constant 0 : i32
      %dma_wait3A_402 = arith.constant 0 : i32
      %dma_wait3A_403 = tpu.memref_slice %arg2[%add3A, %dma_wait3A_401, %dma_wait3A_402] : memref<32x200x128xi32, #tpu.memory_space<hbm>> -> memref<1x200x128xi32, #tpu.memory_space<hbm>>
      %dma_wait3A_404 = tpu.memref_squeeze %dma_wait3A_403 : memref<1x200x128xi32, #tpu.memory_space<hbm>> -> memref<200x128xi32, #tpu.memory_space<hbm>>
      tpu.wait_dma2 semaphore(%run_scoped3A : memref<!tpu.dma_semaphore, #tpu.memory_space<semaphore_mem>>) src(%dma_wait3A_404 : memref<200x128xi32, #tpu.memory_space<hbm>>) dst(%arg5 : memref<200x128xi32, #tpu.memory_space<vmem>>)
      tpu.yield
    }) : () -> ()
    %dma_start3A = arith.constant 0 : i32
    %dma_start3A_3 = arith.constant 0 : i32
    %dma_start3A_4 = arith.constant 0 : i32
    %dma_start3A_5 = arith.constant 0 : i32
    %dma_start3A_6 = arith.constant 0 : i32
    %dma_start3A_7 = tpu.memref_slice %arg6[%dma_start3A_3, %dma_start3A_5, %dma_start3A_6] : memref<4x256x64xf32, #tpu.memory_space<vmem>> -> memref<1x128x64xf32, #tpu.memory_space<vmem>>
    %dma_start3A_8 = tpu.memref_squeeze %dma_start3A_7 : memref<1x128x64xf32, #tpu.memory_space<vmem>> -> memref<128x64xf32, #tpu.memory_space<vmem>>
    %dma_start3A_9 = arith.constant 0 : i32
    %dma_start3A_10 = tpu.memref_slice %arg5[%dma_start3A, %dma_start3A_9] : memref<200x128xi32, #tpu.memory_space<vmem>> -> memref<1x128xi32, #tpu.memory_space<vmem>>
    %dma_start3A_11 = tpu.memref_squeeze %dma_start3A_10 : memref<1x128xi32, #tpu.memory_space<vmem>> -> memref<128xi32, #tpu.memory_space<vmem>>
    %dma_start3A_12 = arith.constant 0 : i32
    %dma_start3A_13 = arith.constant 0 : i32
    %dma_start3A_14 = tpu.memref_slice %arg3[%dma_start3A_12, %dma_start3A_13] : memref<1000000x64xf32, #tpu.memory_space<hbm>> -> memref<1000000x64xf32, #tpu.memory_space<hbm>>
    %dma_start3A_15 = tpu.memref_slice %arg7[%dma_start3A_4] : memref<4x!tpu.dma_semaphore, #tpu.memory_space<semaphore_mem>> -> memref<1x!tpu.dma_semaphore, #tpu.memory_space<semaphore_mem>>
    %dma_start3A_16 = tpu.memref_squeeze %dma_start3A_15 : memref<1x!tpu.dma_semaphore, #tpu.memory_space<semaphore_mem>> -> memref<!tpu.dma_semaphore, #tpu.memory_space<semaphore_mem>>
    tpu.enqueue_indirect_dma source(%dma_start3A_14 : memref<1000000x64xf32, #tpu.memory_space<hbm>>) target(%dma_start3A_8 : memref<128x64xf32, #tpu.memory_space<vmem>>) offsets(%dma_start3A_11 : memref<128xi32, #tpu.memory_space<vmem>>) semaphore(%dma_start3A_16 : memref<!tpu.dma_semaphore, #tpu.memory_space<semaphore_mem>>)
    %dma_start3A_17 = arith.constant 1 : i32
    %dma_start3A_18 = arith.constant 0 : i32
    %dma_start3A_19 = arith.constant 0 : i32
    %dma_start3A_20 = arith.constant 128 : i32
    %dma_start3A_21 = arith.constant 0 : i32
    %dma_start3A_22 = tpu.memref_slice %arg6[%dma_start3A_18, %dma_start3A_20, %dma_start3A_21] : memref<4x256x64xf32, #tpu.memory_space<vmem>> -> memref<1x128x64xf32, #tpu.memory_space<vmem>>
    %dma_start3A_23 = tpu.memref_squeeze %dma_start3A_22 : memref<1x128x64xf32, #tpu.memory_space<vmem>> -> memref<128x64xf32, #tpu.memory_space<vmem>>
    %dma_start3A_24 = arith.constant 0 : i32
    %dma_start3A_25 = tpu.memref_slice %arg5[%dma_start3A_17, %dma_start3A_24] : memref<200x128xi32, #tpu.memory_space<vmem>> -> memref<1x128xi32, #tpu.memory_space<vmem>>
    %dma_start3A_26 = tpu.memref_squeeze %dma_start3A_25 : memref<1x128xi32, #tpu.memory_space<vmem>> -> memref<128xi32, #tpu.memory_space<vmem>>
    %dma_start3A_27 = arith.constant 0 : i32
    %dma_start3A_28 = arith.constant 0 : i32
    %dma_start3A_29 = tpu.memref_slice %arg3[%dma_start3A_27, %dma_start3A_28] : memref<1000000x64xf32, #tpu.memory_space<hbm>> -> memref<1000000x64xf32, #tpu.memory_space<hbm>>
    %dma_start3A_30 = tpu.memref_slice %arg7[%dma_start3A_19] : memref<4x!tpu.dma_semaphore, #tpu.memory_space<semaphore_mem>> -> memref<1x!tpu.dma_semaphore, #tpu.memory_space<semaphore_mem>>
    %dma_start3A_31 = tpu.memref_squeeze %dma_start3A_30 : memref<1x!tpu.dma_semaphore, #tpu.memory_space<semaphore_mem>> -> memref<!tpu.dma_semaphore, #tpu.memory_space<semaphore_mem>>
    tpu.enqueue_indirect_dma source(%dma_start3A_29 : memref<1000000x64xf32, #tpu.memory_space<hbm>>) target(%dma_start3A_23 : memref<128x64xf32, #tpu.memory_space<vmem>>) offsets(%dma_start3A_26 : memref<128xi32, #tpu.memory_space<vmem>>) semaphore(%dma_start3A_31 : memref<!tpu.dma_semaphore, #tpu.memory_space<semaphore_mem>>)
    %dma_start3A_32 = arith.constant 2 : i32
    %dma_start3A_33 = arith.constant 1 : i32
    %dma_start3A_34 = arith.constant 1 : i32
    %dma_start3A_35 = arith.constant 0 : i32
    %dma_start3A_36 = arith.constant 0 : i32
    %dma_start3A_37 = tpu.memref_slice %arg6[%dma_start3A_33, %dma_start3A_35, %dma_start3A_36] : memref<4x256x64xf32, #tpu.memory_space<vmem>> -> memref<1x128x64xf32, #tpu.memory_space<vmem>>
    %dma_start3A_38 = tpu.memref_squeeze %dma_start3A_37 : memref<1x128x64xf32, #tpu.memory_space<vmem>> -> memref<128x64xf32, #tpu.memory_space<vmem>>
    %dma_start3A_39 = arith.constant 0 : i32
    %dma_start3A_40 = tpu.memref_slice %arg5[%dma_start3A_32, %dma_start3A_39] : memref<200x128xi32, #tpu.memory_space<vmem>> -> memref<1x128xi32, #tpu.memory_space<vmem>>
    %dma_start3A_41 = tpu.memref_squeeze %dma_start3A_40 : memref<1x128xi32, #tpu.memory_space<vmem>> -> memref<128xi32, #tpu.memory_space<vmem>>
    %dma_start3A_42 = arith.constant 0 : i32
    %dma_start3A_43 = arith.constant 0 : i32
    %dma_start3A_44 = tpu.memref_slice %arg3[%dma_start3A_42, %dma_start3A_43] : memref<1000000x64xf32, #tpu.memory_space<hbm>> -> memref<1000000x64xf32, #tpu.memory_space<hbm>>
    %dma_start3A_45 = tpu.memref_slice %arg7[%dma_start3A_34] : memref<4x!tpu.dma_semaphore, #tpu.memory_space<semaphore_mem>> -> memref<1x!tpu.dma_semaphore, #tpu.memory_space<semaphore_mem>>
    %dma_start3A_46 = tpu.memref_squeeze %dma_start3A_45 : memref<1x!tpu.dma_semaphore, #tpu.memory_space<semaphore_mem>> -> memref<!tpu.dma_semaphore, #tpu.memory_space<semaphore_mem>>
    tpu.enqueue_indirect_dma source(%dma_start3A_44 : memref<1000000x64xf32, #tpu.memory_space<hbm>>) target(%dma_start3A_38 : memref<128x64xf32, #tpu.memory_space<vmem>>) offsets(%dma_start3A_41 : memref<128xi32, #tpu.memory_space<vmem>>) semaphore(%dma_start3A_46 : memref<!tpu.dma_semaphore, #tpu.memory_space<semaphore_mem>>)
    %dma_start3A_47 = arith.constant 3 : i32
    %dma_start3A_48 = arith.constant 1 : i32
    %dma_start3A_49 = arith.constant 1 : i32
    %dma_start3A_50 = arith.constant 128 : i32
    %dma_start3A_51 = arith.constant 0 : i32
    %dma_start3A_52 = tpu.memref_slice %arg6[%dma_start3A_48, %dma_start3A_50, %dma_start3A_51] : memref<4x256x64xf32, #tpu.memory_space<vmem>> -> memref<1x128x64xf32, #tpu.memory_space<vmem>>
    %dma_start3A_53 = tpu.memref_squeeze %dma_start3A_52 : memref<1x128x64xf32, #tpu.memory_space<vmem>> -> memref<128x64xf32, #tpu.memory_space<vmem>>
    %dma_start3A_54 = arith.constant 0 : i32
    %dma_start3A_55 = tpu.memref_slice %arg5[%dma_start3A_47, %dma_start3A_54] : memref<200x128xi32, #tpu.memory_space<vmem>> -> memref<1x128xi32, #tpu.memory_space<vmem>>
    %dma_start3A_56 = tpu.memref_squeeze %dma_start3A_55 : memref<1x128xi32, #tpu.memory_space<vmem>> -> memref<128xi32, #tpu.memory_space<vmem>>
    %dma_start3A_57 = arith.constant 0 : i32
    %dma_start3A_58 = arith.constant 0 : i32
    %dma_start3A_59 = tpu.memref_slice %arg3[%dma_start3A_57, %dma_start3A_58] : memref<1000000x64xf32, #tpu.memory_space<hbm>> -> memref<1000000x64xf32, #tpu.memory_space<hbm>>
    %dma_start3A_60 = tpu.memref_slice %arg7[%dma_start3A_49] : memref<4x!tpu.dma_semaphore, #tpu.memory_space<semaphore_mem>> -> memref<1x!tpu.dma_semaphore, #tpu.memory_space<semaphore_mem>>
    %dma_start3A_61 = tpu.memref_squeeze %dma_start3A_60 : memref<1x!tpu.dma_semaphore, #tpu.memory_space<semaphore_mem>> -> memref<!tpu.dma_semaphore, #tpu.memory_space<semaphore_mem>>
    tpu.enqueue_indirect_dma source(%dma_start3A_59 : memref<1000000x64xf32, #tpu.memory_space<hbm>>) target(%dma_start3A_53 : memref<128x64xf32, #tpu.memory_space<vmem>>) offsets(%dma_start3A_56 : memref<128xi32, #tpu.memory_space<vmem>>) semaphore(%dma_start3A_61 : memref<!tpu.dma_semaphore, #tpu.memory_space<semaphore_mem>>)
    %dma_start3A_62 = arith.constant 4 : i32
    %dma_start3A_63 = arith.constant 2 : i32
    %dma_start3A_64 = arith.constant 2 : i32
    %dma_start3A_65 = arith.constant 0 : i32
    %dma_start3A_66 = arith.constant 0 : i32
    %dma_start3A_67 = tpu.memref_slice %arg6[%dma_start3A_63, %dma_start3A_65, %dma_start3A_66] : memref<4x256x64xf32, #tpu.memory_space<vmem>> -> memref<1x128x64xf32, #tpu.memory_space<vmem>>
    %dma_start3A_68 = tpu.memref_squeeze %dma_start3A_67 : memref<1x128x64xf32, #tpu.memory_space<vmem>> -> memref<128x64xf32, #tpu.memory_space<vmem>>
    %dma_start3A_69 = arith.constant 0 : i32
    %dma_start3A_70 = tpu.memref_slice %arg5[%dma_start3A_62, %dma_start3A_69] : memref<200x128xi32, #tpu.memory_space<vmem>> -> memref<1x128xi32, #tpu.memory_space<vmem>>
    %dma_start3A_71 = tpu.memref_squeeze %dma_start3A_70 : memref<1x128xi32, #tpu.memory_space<vmem>> -> memref<128xi32, #tpu.memory_space<vmem>>
    %dma_start3A_72 = arith.constant 0 : i32
    %dma_start3A_73 = arith.constant 0 : i32
    %dma_start3A_74 = tpu.memref_slice %arg3[%dma_start3A_72, %dma_start3A_73] : memref<1000000x64xf32, #tpu.memory_space<hbm>> -> memref<1000000x64xf32, #tpu.memory_space<hbm>>
    %dma_start3A_75 = tpu.memref_slice %arg7[%dma_start3A_64] : memref<4x!tpu.dma_semaphore, #tpu.memory_space<semaphore_mem>> -> memref<1x!tpu.dma_semaphore, #tpu.memory_space<semaphore_mem>>
    %dma_start3A_76 = tpu.memref_squeeze %dma_start3A_75 : memref<1x!tpu.dma_semaphore, #tpu.memory_space<semaphore_mem>> -> memref<!tpu.dma_semaphore, #tpu.memory_space<semaphore_mem>>
    tpu.enqueue_indirect_dma source(%dma_start3A_74 : memref<1000000x64xf32, #tpu.memory_space<hbm>>) target(%dma_start3A_68 : memref<128x64xf32, #tpu.memory_space<vmem>>) offsets(%dma_start3A_71 : memref<128xi32, #tpu.memory_space<vmem>>) semaphore(%dma_start3A_76 : memref<!tpu.dma_semaphore, #tpu.memory_space<semaphore_mem>>)
    %dma_start3A_77 = arith.constant 5 : i32
    %dma_start3A_78 = arith.constant 2 : i32
    %dma_start3A_79 = arith.constant 2 : i32
    %dma_start3A_80 = arith.constant 128 : i32
    %dma_start3A_81 = arith.constant 0 : i32
    %dma_start3A_82 = tpu.memref_slice %arg6[%dma_start3A_78, %dma_start3A_80, %dma_start3A_81] : memref<4x256x64xf32, #tpu.memory_space<vmem>> -> memref<1x128x64xf32, #tpu.memory_space<vmem>>
    %dma_start3A_83 = tpu.memref_squeeze %dma_start3A_82 : memref<1x128x64xf32, #tpu.memory_space<vmem>> -> memref<128x64xf32, #tpu.memory_space<vmem>>
    %dma_start3A_84 = arith.constant 0 : i32
    %dma_start3A_85 = tpu.memref_slice %arg5[%dma_start3A_77, %dma_start3A_84] : memref<200x128xi32, #tpu.memory_space<vmem>> -> memref<1x128xi32, #tpu.memory_space<vmem>>
    %dma_start3A_86 = tpu.memref_squeeze %dma_start3A_85 : memref<1x128xi32, #tpu.memory_space<vmem>> -> memref<128xi32, #tpu.memory_space<vmem>>
    %dma_start3A_87 = arith.constant 0 : i32
    %dma_start3A_88 = arith.constant 0 : i32
    %dma_start3A_89 = tpu.memref_slice %arg3[%dma_start3A_87, %dma_start3A_88] : memref<1000000x64xf32, #tpu.memory_space<hbm>> -> memref<1000000x64xf32, #tpu.memory_space<hbm>>
    %dma_start3A_90 = tpu.memref_slice %arg7[%dma_start3A_79] : memref<4x!tpu.dma_semaphore, #tpu.memory_space<semaphore_mem>> -> memref<1x!tpu.dma_semaphore, #tpu.memory_space<semaphore_mem>>
    %dma_start3A_91 = tpu.memref_squeeze %dma_start3A_90 : memref<1x!tpu.dma_semaphore, #tpu.memory_space<semaphore_mem>> -> memref<!tpu.dma_semaphore, #tpu.memory_space<semaphore_mem>>
    tpu.enqueue_indirect_dma source(%dma_start3A_89 : memref<1000000x64xf32, #tpu.memory_space<hbm>>) target(%dma_start3A_83 : memref<128x64xf32, #tpu.memory_space<vmem>>) offsets(%dma_start3A_86 : memref<128xi32, #tpu.memory_space<vmem>>) semaphore(%dma_start3A_91 : memref<!tpu.dma_semaphore, #tpu.memory_space<semaphore_mem>>)
    %dma_wait3A = arith.constant 0 : i32
    %dma_wait3A_92 = arith.constant 0 : i32
    %dma_wait3A_93 = arith.constant 0 : i32
    %dma_wait3A_94 = arith.constant 0 : i32
    %dma_wait3A_95 = arith.constant 0 : i32
    %dma_wait3A_96 = tpu.memref_slice %arg6[%dma_wait3A_92, %dma_wait3A_94, %dma_wait3A_95] : memref<4x256x64xf32, #tpu.memory_space<vmem>> -> memref<1x128x64xf32, #tpu.memory_space<vmem>>
    %dma_wait3A_97 = tpu.memref_squeeze %dma_wait3A_96 : memref<1x128x64xf32, #tpu.memory_space<vmem>> -> memref<128x64xf32, #tpu.memory_space<vmem>>
    %dma_wait3A_98 = arith.constant 0 : i32
    %dma_wait3A_99 = tpu.memref_slice %arg5[%dma_wait3A, %dma_wait3A_98] : memref<200x128xi32, #tpu.memory_space<vmem>> -> memref<1x128xi32, #tpu.memory_space<vmem>>
    %dma_wait3A_100 = tpu.memref_squeeze %dma_wait3A_99 : memref<1x128xi32, #tpu.memory_space<vmem>> -> memref<128xi32, #tpu.memory_space<vmem>>
    %dma_wait3A_101 = arith.constant 0 : i32
    %dma_wait3A_102 = arith.constant 0 : i32
    %dma_wait3A_103 = tpu.memref_slice %arg3[%dma_wait3A_101, %dma_wait3A_102] : memref<1000000x64xf32, #tpu.memory_space<hbm>> -> memref<1000000x64xf32, #tpu.memory_space<hbm>>
    %dma_wait3A_104 = tpu.memref_slice %arg7[%dma_wait3A_93] : memref<4x!tpu.dma_semaphore, #tpu.memory_space<semaphore_mem>> -> memref<1x!tpu.dma_semaphore, #tpu.memory_space<semaphore_mem>>
    %dma_wait3A_105 = tpu.memref_squeeze %dma_wait3A_104 : memref<1x!tpu.dma_semaphore, #tpu.memory_space<semaphore_mem>> -> memref<!tpu.dma_semaphore, #tpu.memory_space<semaphore_mem>>
    tpu.wait_indirect_dma semaphore(%dma_wait3A_105 : memref<!tpu.dma_semaphore, #tpu.memory_space<semaphore_mem>>) src(%dma_wait3A_103 : memref<1000000x64xf32, #tpu.memory_space<hbm>>) dst(%dma_wait3A_97 : memref<128x64xf32, #tpu.memory_space<vmem>>)
    %dma_wait3A_106 = arith.constant 0 : i32
    %dma_wait3A_107 = arith.constant 0 : i32
    %dma_wait3A_108 = arith.constant 0 : i32
    %dma_wait3A_109 = arith.constant 128 : i32
    %dma_wait3A_110 = arith.constant 0 : i32
    %dma_wait3A_111 = tpu.memref_slice %arg6[%dma_wait3A_107, %dma_wait3A_109, %dma_wait3A_110] : memref<4x256x64xf32, #tpu.memory_space<vmem>> -> memref<1x128x64xf32, #tpu.memory_space<vmem>>
    %dma_wait3A_112 = tpu.memref_squeeze %dma_wait3A_111 : memref<1x128x64xf32, #tpu.memory_space<vmem>> -> memref<128x64xf32, #tpu.memory_space<vmem>>
    %dma_wait3A_113 = arith.constant 0 : i32
    %dma_wait3A_114 = tpu.memref_slice %arg5[%dma_wait3A_106, %dma_wait3A_113] : memref<200x128xi32, #tpu.memory_space<vmem>> -> memref<1x128xi32, #tpu.memory_space<vmem>>
    %dma_wait3A_115 = tpu.memref_squeeze %dma_wait3A_114 : memref<1x128xi32, #tpu.memory_space<vmem>> -> memref<128xi32, #tpu.memory_space<vmem>>
    %dma_wait3A_116 = arith.constant 0 : i32
    %dma_wait3A_117 = arith.constant 0 : i32
    %dma_wait3A_118 = tpu.memref_slice %arg3[%dma_wait3A_116, %dma_wait3A_117] : memref<1000000x64xf32, #tpu.memory_space<hbm>> -> memref<1000000x64xf32, #tpu.memory_space<hbm>>
    %dma_wait3A_119 = tpu.memref_slice %arg7[%dma_wait3A_108] : memref<4x!tpu.dma_semaphore, #tpu.memory_space<semaphore_mem>> -> memref<1x!tpu.dma_semaphore, #tpu.memory_space<semaphore_mem>>
    %dma_wait3A_120 = tpu.memref_squeeze %dma_wait3A_119 : memref<1x!tpu.dma_semaphore, #tpu.memory_space<semaphore_mem>> -> memref<!tpu.dma_semaphore, #tpu.memory_space<semaphore_mem>>
    tpu.wait_indirect_dma semaphore(%dma_wait3A_120 : memref<!tpu.dma_semaphore, #tpu.memory_space<semaphore_mem>>) src(%dma_wait3A_118 : memref<1000000x64xf32, #tpu.memory_space<hbm>>) dst(%dma_wait3A_112 : memref<128x64xf32, #tpu.memory_space<vmem>>)
    %add3A_121 = arith.constant 0 : i32
    %add3A_122 = arith.addi %mul3A_2, %add3A_121 : i32
    %dma_start3A_123 = arith.constant 0 : i32
    %dma_start3A_124 = arith.constant 0 : i32
    %dma_start3A_125 = arith.constant 0 : i32
    %dma_start3A_126 = arith.constant 0 : i32
    %dma_start3A_127 = tpu.memref_slice %arg6[%dma_start3A_123, %dma_start3A_125, %dma_start3A_126] : memref<4x256x64xf32, #tpu.memory_space<vmem>> -> memref<1x256x64xf32, #tpu.memory_space<vmem>>
    %dma_start3A_128 = tpu.memref_squeeze %dma_start3A_127 : memref<1x256x64xf32, #tpu.memory_space<vmem>> -> memref<256x64xf32, #tpu.memory_space<vmem>>
    %dma_start3A_129 = arith.constant 0 : i32
    %dma_start3A_130 = tpu.memref_slice %arg4[%add3A_122, %dma_start3A_129] : memref<819200x64xf32, #tpu.memory_space<hbm>> -> memref<256x64xf32, #tpu.memory_space<hbm>>
    %dma_start3A_131 = tpu.memref_slice %arg8[%dma_start3A_124] : memref<4x!tpu.dma_semaphore, #tpu.memory_space<semaphore_mem>> -> memref<1x!tpu.dma_semaphore, #tpu.memory_space<semaphore_mem>>
    %dma_start3A_132 = tpu.memref_squeeze %dma_start3A_131 : memref<1x!tpu.dma_semaphore, #tpu.memory_space<semaphore_mem>> -> memref<!tpu.dma_semaphore, #tpu.memory_space<semaphore_mem>>
    %dma_start3A_133 = arith.constant 0 : i32
    %dma_start3A_134 = tpu.memref_slice %arg4[%add3A_122, %dma_start3A_133] : memref<819200x64xf32, #tpu.memory_space<hbm>> -> memref<256x64xf32, #tpu.memory_space<hbm>>
    %dma_start3A_135 = arith.constant 0 : i32
    %dma_start3A_136 = arith.constant 0 : i32
    %dma_start3A_137 = tpu.memref_slice %arg6[%dma_start3A_123, %dma_start3A_135, %dma_start3A_136] : memref<4x256x64xf32, #tpu.memory_space<vmem>> -> memref<1x256x64xf32, #tpu.memory_space<vmem>>
    %dma_start3A_138 = tpu.memref_squeeze %dma_start3A_137 : memref<1x256x64xf32, #tpu.memory_space<vmem>> -> memref<256x64xf32, #tpu.memory_space<vmem>>
    tpu.enqueue_dma source(%dma_start3A_138 : memref<256x64xf32, #tpu.memory_space<vmem>>) target(%dma_start3A_134 : memref<256x64xf32, #tpu.memory_space<hbm>>) target_semaphore(%dma_start3A_132 : memref<!tpu.dma_semaphore, #tpu.memory_space<semaphore_mem>>)
    %dma_start3A_139 = arith.constant 6 : i32
    %dma_start3A_140 = arith.constant 3 : i32
    %dma_start3A_141 = arith.constant 3 : i32
    %dma_start3A_142 = arith.constant 0 : i32
    %dma_start3A_143 = arith.constant 0 : i32
    %dma_start3A_144 = tpu.memref_slice %arg6[%dma_start3A_140, %dma_start3A_142, %dma_start3A_143] : memref<4x256x64xf32, #tpu.memory_space<vmem>> -> memref<1x128x64xf32, #tpu.memory_space<vmem>>
    %dma_start3A_145 = tpu.memref_squeeze %dma_start3A_144 : memref<1x128x64xf32, #tpu.memory_space<vmem>> -> memref<128x64xf32, #tpu.memory_space<vmem>>
    %dma_start3A_146 = arith.constant 0 : i32
    %dma_start3A_147 = tpu.memref_slice %arg5[%dma_start3A_139, %dma_start3A_146] : memref<200x128xi32, #tpu.memory_space<vmem>> -> memref<1x128xi32, #tpu.memory_space<vmem>>
    %dma_start3A_148 = tpu.memref_squeeze %dma_start3A_147 : memref<1x128xi32, #tpu.memory_space<vmem>> -> memref<128xi32, #tpu.memory_space<vmem>>
    %dma_start3A_149 = arith.constant 0 : i32
    %dma_start3A_150 = arith.constant 0 : i32
    %dma_start3A_151 = tpu.memref_slice %arg3[%dma_start3A_149, %dma_start3A_150] : memref<1000000x64xf32, #tpu.memory_space<hbm>> -> memref<1000000x64xf32, #tpu.memory_space<hbm>>
    %dma_start3A_152 = tpu.memref_slice %arg7[%dma_start3A_141] : memref<4x!tpu.dma_semaphore, #tpu.memory_space<semaphore_mem>> -> memref<1x!tpu.dma_semaphore, #tpu.memory_space<semaphore_mem>>
    %dma_start3A_153 = tpu.memref_squeeze %dma_start3A_152 : memref<1x!tpu.dma_semaphore, #tpu.memory_space<semaphore_mem>> -> memref<!tpu.dma_semaphore, #tpu.memory_space<semaphore_mem>>
    tpu.enqueue_indirect_dma source(%dma_start3A_151 : memref<1000000x64xf32, #tpu.memory_space<hbm>>) target(%dma_start3A_145 : memref<128x64xf32, #tpu.memory_space<vmem>>) offsets(%dma_start3A_148 : memref<128xi32, #tpu.memory_space<vmem>>) semaphore(%dma_start3A_153 : memref<!tpu.dma_semaphore, #tpu.memory_space<semaphore_mem>>)
    %dma_start3A_154 = arith.constant 7 : i32
    %dma_start3A_155 = arith.constant 3 : i32
    %dma_start3A_156 = arith.constant 3 : i32
    %dma_start3A_157 = arith.constant 128 : i32
    %dma_start3A_158 = arith.constant 0 : i32
    %dma_start3A_159 = tpu.memref_slice %arg6[%dma_start3A_155, %dma_start3A_157, %dma_start3A_158] : memref<4x256x64xf32, #tpu.memory_space<vmem>> -> memref<1x128x64xf32, #tpu.memory_space<vmem>>
    %dma_start3A_160 = tpu.memref_squeeze %dma_start3A_159 : memref<1x128x64xf32, #tpu.memory_space<vmem>> -> memref<128x64xf32, #tpu.memory_space<vmem>>
    %dma_start3A_161 = arith.constant 0 : i32
    %dma_start3A_162 = tpu.memref_slice %arg5[%dma_start3A_154, %dma_start3A_161] : memref<200x128xi32, #tpu.memory_space<vmem>> -> memref<1x128xi32, #tpu.memory_space<vmem>>
    %dma_start3A_163 = tpu.memref_squeeze %dma_start3A_162 : memref<1x128xi32, #tpu.memory_space<vmem>> -> memref<128xi32, #tpu.memory_space<vmem>>
    %dma_start3A_164 = arith.constant 0 : i32
    %dma_start3A_165 = arith.constant 0 : i32
    %dma_start3A_166 = tpu.memref_slice %arg3[%dma_start3A_164, %dma_start3A_165] : memref<1000000x64xf32, #tpu.memory_space<hbm>> -> memref<1000000x64xf32, #tpu.memory_space<hbm>>
    %dma_start3A_167 = tpu.memref_slice %arg7[%dma_start3A_156] : memref<4x!tpu.dma_semaphore, #tpu.memory_space<semaphore_mem>> -> memref<1x!tpu.dma_semaphore, #tpu.memory_space<semaphore_mem>>
    %dma_start3A_168 = tpu.memref_squeeze %dma_start3A_167 : memref<1x!tpu.dma_semaphore, #tpu.memory_space<semaphore_mem>> -> memref<!tpu.dma_semaphore, #tpu.memory_space<semaphore_mem>>
    tpu.enqueue_indirect_dma source(%dma_start3A_166 : memref<1000000x64xf32, #tpu.memory_space<hbm>>) target(%dma_start3A_160 : memref<128x64xf32, #tpu.memory_space<vmem>>) offsets(%dma_start3A_163 : memref<128xi32, #tpu.memory_space<vmem>>) semaphore(%dma_start3A_168 : memref<!tpu.dma_semaphore, #tpu.memory_space<semaphore_mem>>)
    %dma_wait3A_169 = arith.constant 0 : i32
    %dma_wait3A_170 = arith.constant 1 : i32
    %dma_wait3A_171 = arith.constant 1 : i32
    %dma_wait3A_172 = arith.constant 0 : i32
    %dma_wait3A_173 = arith.constant 0 : i32
    %dma_wait3A_174 = tpu.memref_slice %arg6[%dma_wait3A_170, %dma_wait3A_172, %dma_wait3A_173] : memref<4x256x64xf32, #tpu.memory_space<vmem>> -> memref<1x128x64xf32, #tpu.memory_space<vmem>>
    %dma_wait3A_175 = tpu.memref_squeeze %dma_wait3A_174 : memref<1x128x64xf32, #tpu.memory_space<vmem>> -> memref<128x64xf32, #tpu.memory_space<vmem>>
    %dma_wait3A_176 = arith.constant 0 : i32
    %dma_wait3A_177 = tpu.memref_slice %arg5[%dma_wait3A_169, %dma_wait3A_176] : memref<200x128xi32, #tpu.memory_space<vmem>> -> memref<1x128xi32, #tpu.memory_space<vmem>>
    %dma_wait3A_178 = tpu.memref_squeeze %dma_wait3A_177 : memref<1x128xi32, #tpu.memory_space<vmem>> -> memref<128xi32, #tpu.memory_space<vmem>>
    %dma_wait3A_179 = arith.constant 0 : i32
    %dma_wait3A_180 = arith.constant 0 : i32
    %dma_wait3A_181 = tpu.memref_slice %arg3[%dma_wait3A_179, %dma_wait3A_180] : memref<1000000x64xf32, #tpu.memory_space<hbm>> -> memref<1000000x64xf32, #tpu.memory_space<hbm>>
    %dma_wait3A_182 = tpu.memref_slice %arg7[%dma_wait3A_171] : memref<4x!tpu.dma_semaphore, #tpu.memory_space<semaphore_mem>> -> memref<1x!tpu.dma_semaphore, #tpu.memory_space<semaphore_mem>>
    %dma_wait3A_183 = tpu.memref_squeeze %dma_wait3A_182 : memref<1x!tpu.dma_semaphore, #tpu.memory_space<semaphore_mem>> -> memref<!tpu.dma_semaphore, #tpu.memory_space<semaphore_mem>>
    tpu.wait_indirect_dma semaphore(%dma_wait3A_183 : memref<!tpu.dma_semaphore, #tpu.memory_space<semaphore_mem>>) src(%dma_wait3A_181 : memref<1000000x64xf32, #tpu.memory_space<hbm>>) dst(%dma_wait3A_175 : memref<128x64xf32, #tpu.memory_space<vmem>>)
    %dma_wait3A_184 = arith.constant 0 : i32
    %dma_wait3A_185 = arith.constant 1 : i32
    %dma_wait3A_186 = arith.constant 1 : i32
    %dma_wait3A_187 = arith.constant 128 : i32
    %dma_wait3A_188 = arith.constant 0 : i32
    %dma_wait3A_189 = tpu.memref_slice %arg6[%dma_wait3A_185, %dma_wait3A_187, %dma_wait3A_188] : memref<4x256x64xf32, #tpu.memory_space<vmem>> -> memref<1x128x64xf32, #tpu.memory_space<vmem>>
    %dma_wait3A_190 = tpu.memref_squeeze %dma_wait3A_189 : memref<1x128x64xf32, #tpu.memory_space<vmem>> -> memref<128x64xf32, #tpu.memory_space<vmem>>
    %dma_wait3A_191 = arith.constant 0 : i32
    %dma_wait3A_192 = tpu.memref_slice %arg5[%dma_wait3A_184, %dma_wait3A_191] : memref<200x128xi32, #tpu.memory_space<vmem>> -> memref<1x128xi32, #tpu.memory_space<vmem>>
    %dma_wait3A_193 = tpu.memref_squeeze %dma_wait3A_192 : memref<1x128xi32, #tpu.memory_space<vmem>> -> memref<128xi32, #tpu.memory_space<vmem>>
    %dma_wait3A_194 = arith.constant 0 : i32
    %dma_wait3A_195 = arith.constant 0 : i32
    %dma_wait3A_196 = tpu.memref_slice %arg3[%dma_wait3A_194, %dma_wait3A_195] : memref<1000000x64xf32, #tpu.memory_space<hbm>> -> memref<1000000x64xf32, #tpu.memory_space<hbm>>
    %dma_wait3A_197 = tpu.memref_slice %arg7[%dma_wait3A_186] : memref<4x!tpu.dma_semaphore, #tpu.memory_space<semaphore_mem>> -> memref<1x!tpu.dma_semaphore, #tpu.memory_space<semaphore_mem>>
    %dma_wait3A_198 = tpu.memref_squeeze %dma_wait3A_197 : memref<1x!tpu.dma_semaphore, #tpu.memory_space<semaphore_mem>> -> memref<!tpu.dma_semaphore, #tpu.memory_space<semaphore_mem>>
    tpu.wait_indirect_dma semaphore(%dma_wait3A_198 : memref<!tpu.dma_semaphore, #tpu.memory_space<semaphore_mem>>) src(%dma_wait3A_196 : memref<1000000x64xf32, #tpu.memory_space<hbm>>) dst(%dma_wait3A_190 : memref<128x64xf32, #tpu.memory_space<vmem>>)
    %add3A_199 = arith.constant 256 : i32
    %add3A_200 = arith.addi %mul3A_2, %add3A_199 : i32
    %dma_start3A_201 = arith.constant 1 : i32
    %dma_start3A_202 = arith.constant 1 : i32
    %dma_start3A_203 = arith.constant 0 : i32
    %dma_start3A_204 = arith.constant 0 : i32
    %dma_start3A_205 = tpu.memref_slice %arg6[%dma_start3A_201, %dma_start3A_203, %dma_start3A_204] : memref<4x256x64xf32, #tpu.memory_space<vmem>> -> memref<1x256x64xf32, #tpu.memory_space<vmem>>
    %dma_start3A_206 = tpu.memref_squeeze %dma_start3A_205 : memref<1x256x64xf32, #tpu.memory_space<vmem>> -> memref<256x64xf32, #tpu.memory_space<vmem>>
    %dma_start3A_207 = arith.constant 0 : i32
    %dma_start3A_208 = tpu.memref_slice %arg4[%add3A_200, %dma_start3A_207] : memref<819200x64xf32, #tpu.memory_space<hbm>> -> memref<256x64xf32, #tpu.memory_space<hbm>>
    %dma_start3A_209 = tpu.memref_slice %arg8[%dma_start3A_202] : memref<4x!tpu.dma_semaphore, #tpu.memory_space<semaphore_mem>> -> memref<1x!tpu.dma_semaphore, #tpu.memory_space<semaphore_mem>>
    %dma_start3A_210 = tpu.memref_squeeze %dma_start3A_209 : memref<1x!tpu.dma_semaphore, #tpu.memory_space<semaphore_mem>> -> memref<!tpu.dma_semaphore, #tpu.memory_space<semaphore_mem>>
    %dma_start3A_211 = arith.constant 0 : i32
    %dma_start3A_212 = tpu.memref_slice %arg4[%add3A_200, %dma_start3A_211] : memref<819200x64xf32, #tpu.memory_space<hbm>> -> memref<256x64xf32, #tpu.memory_space<hbm>>
    %dma_start3A_213 = arith.constant 0 : i32
    %dma_start3A_214 = arith.constant 0 : i32
    %dma_start3A_215 = tpu.memref_slice %arg6[%dma_start3A_201, %dma_start3A_213, %dma_start3A_214] : memref<4x256x64xf32, #tpu.memory_space<vmem>> -> memref<1x256x64xf32, #tpu.memory_space<vmem>>
    %dma_start3A_216 = tpu.memref_squeeze %dma_start3A_215 : memref<1x256x64xf32, #tpu.memory_space<vmem>> -> memref<256x64xf32, #tpu.memory_space<vmem>>
    tpu.enqueue_dma source(%dma_start3A_216 : memref<256x64xf32, #tpu.memory_space<vmem>>) target(%dma_start3A_212 : memref<256x64xf32, #tpu.memory_space<hbm>>) target_semaphore(%dma_start3A_210 : memref<!tpu.dma_semaphore, #tpu.memory_space<semaphore_mem>>)
    %scan3A = arith.constant 0 : i32
    %scan3A_217 = arith.constant 24 : i32
    %scan3A_218 = arith.addi %scan3A, %scan3A_217 : i32
    %scan3A_219 = arith.constant 1 : i32
    scf.for %scan3A_389 = %scan3A to %scan3A_218 step %scan3A_219  : i32 {
      %mul3A_390 = arith.constant 4 : i32
      %mul3A_391 = arith.muli %scan3A_389, %mul3A_390 : i32
      %add3A_392 = arith.constant 2 : i32
      %add3A_393 = arith.addi %add3A_392, %mul3A_391 : i32
      %add3A_394 = arith.constant 0 : i32
      %add3A_395 = arith.addi %add3A_393, %add3A_394 : i32
      %dma_wait3A_396 = arith.constant 0 : i32
      %dma_wait3A_397 = arith.constant 0 : i32
      %dma_wait3A_398 = arith.constant 0 : i32
      %dma_wait3A_399 = arith.constant 0 : i32
      %dma_wait3A_400 = tpu.memref_slice %arg6[%dma_wait3A_396, %dma_wait3A_398, %dma_wait3A_399] : memref<4x256x64xf32, #tpu.memory_space<vmem>> -> memref<1x256x64xf32, #tpu.memory_space<vmem>>
      %dma_wait3A_401 = tpu.memref_squeeze %dma_wait3A_400 : memref<1x256x64xf32, #tpu.memory_space<vmem>> -> memref<256x64xf32, #tpu.memory_space<vmem>>
      %dma_wait3A_402 = arith.constant 0 : i32
      %dma_wait3A_403 = arith.constant 0 : i32
      %dma_wait3A_404 = tpu.memref_slice %arg4[%dma_wait3A_402, %dma_wait3A_403] : memref<819200x64xf32, #tpu.memory_space<hbm>> -> memref<256x64xf32, #tpu.memory_space<hbm>>
      %dma_wait3A_405 = tpu.memref_slice %arg8[%dma_wait3A_397] : memref<4x!tpu.dma_semaphore, #tpu.memory_space<semaphore_mem>> -> memref<1x!tpu.dma_semaphore, #tpu.memory_space<semaphore_mem>>
      %dma_wait3A_406 = tpu.memref_squeeze %dma_wait3A_405 : memref<1x!tpu.dma_semaphore, #tpu.memory_space<semaphore_mem>> -> memref<!tpu.dma_semaphore, #tpu.memory_space<semaphore_mem>>
      %dma_wait3A_407 = arith.constant 0 : i32
      %dma_wait3A_408 = arith.constant 0 : i32
      %dma_wait3A_409 = tpu.memref_slice %arg4[%dma_wait3A_407, %dma_wait3A_408] : memref<819200x64xf32, #tpu.memory_space<hbm>> -> memref<256x64xf32, #tpu.memory_space<hbm>>
      %dma_wait3A_410 = arith.constant 0 : i32
      %dma_wait3A_411 = arith.constant 0 : i32
      %dma_wait3A_412 = tpu.memref_slice %arg6[%dma_wait3A_396, %dma_wait3A_410, %dma_wait3A_411] : memref<4x256x64xf32, #tpu.memory_space<vmem>> -> memref<1x256x64xf32, #tpu.memory_space<vmem>>
      %dma_wait3A_413 = tpu.memref_squeeze %dma_wait3A_412 : memref<1x256x64xf32, #tpu.memory_space<vmem>> -> memref<256x64xf32, #tpu.memory_space<vmem>>
      tpu.wait_dma2 semaphore(%dma_wait3A_406 : memref<!tpu.dma_semaphore, #tpu.memory_space<semaphore_mem>>) src(%dma_wait3A_413 : memref<256x64xf32, #tpu.memory_space<vmem>>) dst(%dma_wait3A_409 : memref<256x64xf32, #tpu.memory_space<hbm>>)
      %add3A_414 = arith.constant 2 : i32
      %add3A_415 = arith.addi %add3A_395, %add3A_414 : i32
      %mul3A_416 = arith.constant 2 : i32
      %mul3A_417 = arith.muli %add3A_415, %mul3A_416 : i32
      %add3A_418 = arith.constant 0 : i32
      %add3A_419 = arith.addi %mul3A_417, %add3A_418 : i32
      %dma_start3A_420 = arith.constant 0 : i32
      %dma_start3A_421 = arith.constant 0 : i32
      %dma_start3A_422 = arith.constant 0 : i32
      %dma_start3A_423 = arith.constant 0 : i32
      %dma_start3A_424 = tpu.memref_slice %arg6[%dma_start3A_420, %dma_start3A_422, %dma_start3A_423] : memref<4x256x64xf32, #tpu.memory_space<vmem>> -> memref<1x128x64xf32, #tpu.memory_space<vmem>>
      %dma_start3A_425 = tpu.memref_squeeze %dma_start3A_424 : memref<1x128x64xf32, #tpu.memory_space<vmem>> -> memref<128x64xf32, #tpu.memory_space<vmem>>
      %dma_start3A_426 = arith.constant 0 : i32
      %dma_start3A_427 = tpu.memref_slice %arg5[%add3A_419, %dma_start3A_426] : memref<200x128xi32, #tpu.memory_space<vmem>> -> memref<1x128xi32, #tpu.memory_space<vmem>>
      %dma_start3A_428 = tpu.memref_squeeze %dma_start3A_427 : memref<1x128xi32, #tpu.memory_space<vmem>> -> memref<128xi32, #tpu.memory_space<vmem>>
      %dma_start3A_429 = arith.constant 0 : i32
      %dma_start3A_430 = arith.constant 0 : i32
      %dma_start3A_431 = tpu.memref_slice %arg3[%dma_start3A_429, %dma_start3A_430] : memref<1000000x64xf32, #tpu.memory_space<hbm>> -> memref<1000000x64xf32, #tpu.memory_space<hbm>>
      %dma_start3A_432 = tpu.memref_slice %arg7[%dma_start3A_421] : memref<4x!tpu.dma_semaphore, #tpu.memory_space<semaphore_mem>> -> memref<1x!tpu.dma_semaphore, #tpu.memory_space<semaphore_mem>>
      %dma_start3A_433 = tpu.memref_squeeze %dma_start3A_432 : memref<1x!tpu.dma_semaphore, #tpu.memory_space<semaphore_mem>> -> memref<!tpu.dma_semaphore, #tpu.memory_space<semaphore_mem>>
      tpu.enqueue_indirect_dma source(%dma_start3A_431 : memref<1000000x64xf32, #tpu.memory_space<hbm>>) target(%dma_start3A_425 : memref<128x64xf32, #tpu.memory_space<vmem>>) offsets(%dma_start3A_428 : memref<128xi32, #tpu.memory_space<vmem>>) semaphore(%dma_start3A_433 : memref<!tpu.dma_semaphore, #tpu.memory_space<semaphore_mem>>)
      %mul3A_434 = arith.constant 2 : i32
      %mul3A_435 = arith.muli %add3A_415, %mul3A_434 : i32
      %add3A_436 = arith.constant 1 : i32
      %add3A_437 = arith.addi %mul3A_435, %add3A_436 : i32
      %dma_start3A_438 = arith.constant 0 : i32
      %dma_start3A_439 = arith.constant 0 : i32
      %dma_start3A_440 = arith.constant 128 : i32
      %dma_start3A_441 = arith.constant 0 : i32
      %dma_start3A_442 = tpu.memref_slice %arg6[%dma_start3A_438, %dma_start3A_440, %dma_start3A_441] : memref<4x256x64xf32, #tpu.memory_space<vmem>> -> memref<1x128x64xf32, #tpu.memory_space<vmem>>
      %dma_start3A_443 = tpu.memref_squeeze %dma_start3A_442 : memref<1x128x64xf32, #tpu.memory_space<vmem>> -> memref<128x64xf32, #tpu.memory_space<vmem>>
      %dma_start3A_444 = arith.constant 0 : i32
      %dma_start3A_445 = tpu.memref_slice %arg5[%add3A_437, %dma_start3A_444] : memref<200x128xi32, #tpu.memory_space<vmem>> -> memref<1x128xi32, #tpu.memory_space<vmem>>
      %dma_start3A_446 = tpu.memref_squeeze %dma_start3A_445 : memref<1x128xi32, #tpu.memory_space<vmem>> -> memref<128xi32, #tpu.memory_space<vmem>>
      %dma_start3A_447 = arith.constant 0 : i32
      %dma_start3A_448 = arith.constant 0 : i32
      %dma_start3A_449 = tpu.memref_slice %arg3[%dma_start3A_447, %dma_start3A_448] : memref<1000000x64xf32, #tpu.memory_space<hbm>> -> memref<1000000x64xf32, #tpu.memory_space<hbm>>
      %dma_start3A_450 = tpu.memref_slice %arg7[%dma_start3A_439] : memref<4x!tpu.dma_semaphore, #tpu.memory_space<semaphore_mem>> -> memref<1x!tpu.dma_semaphore, #tpu.memory_space<semaphore_mem>>
      %dma_start3A_451 = tpu.memref_squeeze %dma_start3A_450 : memref<1x!tpu.dma_semaphore, #tpu.memory_space<semaphore_mem>> -> memref<!tpu.dma_semaphore, #tpu.memory_space<semaphore_mem>>
      tpu.enqueue_indirect_dma source(%dma_start3A_449 : memref<1000000x64xf32, #tpu.memory_space<hbm>>) target(%dma_start3A_443 : memref<128x64xf32, #tpu.memory_space<vmem>>) offsets(%dma_start3A_446 : memref<128xi32, #tpu.memory_space<vmem>>) semaphore(%dma_start3A_451 : memref<!tpu.dma_semaphore, #tpu.memory_space<semaphore_mem>>)
      %dma_wait3A_452 = arith.constant 0 : i32
      %dma_wait3A_453 = arith.constant 2 : i32
      %dma_wait3A_454 = arith.constant 2 : i32
      %dma_wait3A_455 = arith.constant 0 : i32
      %dma_wait3A_456 = arith.constant 0 : i32
      %dma_wait3A_457 = tpu.memref_slice %arg6[%dma_wait3A_453, %dma_wait3A_455, %dma_wait3A_456] : memref<4x256x64xf32, #tpu.memory_space<vmem>> -> memref<1x128x64xf32, #tpu.memory_space<vmem>>
      %dma_wait3A_458 = tpu.memref_squeeze %dma_wait3A_457 : memref<1x128x64xf32, #tpu.memory_space<vmem>> -> memref<128x64xf32, #tpu.memory_space<vmem>>
      %dma_wait3A_459 = arith.constant 0 : i32
      %dma_wait3A_460 = tpu.memref_slice %arg5[%dma_wait3A_452, %dma_wait3A_459] : memref<200x128xi32, #tpu.memory_space<vmem>> -> memref<1x128xi32, #tpu.memory_space<vmem>>
      %dma_wait3A_461 = tpu.memref_squeeze %dma_wait3A_460 : memref<1x128xi32, #tpu.memory_space<vmem>> -> memref<128xi32, #tpu.memory_space<vmem>>
      %dma_wait3A_462 = arith.constant 0 : i32
      %dma_wait3A_463 = arith.constant 0 : i32
      %dma_wait3A_464 = tpu.memref_slice %arg3[%dma_wait3A_462, %dma_wait3A_463] : memref<1000000x64xf32, #tpu.memory_space<hbm>> -> memref<1000000x64xf32, #tpu.memory_space<hbm>>
      %dma_wait3A_465 = tpu.memref_slice %arg7[%dma_wait3A_454] : memref<4x!tpu.dma_semaphore, #tpu.memory_space<semaphore_mem>> -> memref<1x!tpu.dma_semaphore, #tpu.memory_space<semaphore_mem>>
      %dma_wait3A_466 = tpu.memref_squeeze %dma_wait3A_465 : memref<1x!tpu.dma_semaphore, #tpu.memory_space<semaphore_mem>> -> memref<!tpu.dma_semaphore, #tpu.memory_space<semaphore_mem>>
      tpu.wait_indirect_dma semaphore(%dma_wait3A_466 : memref<!tpu.dma_semaphore, #tpu.memory_space<semaphore_mem>>) src(%dma_wait3A_464 : memref<1000000x64xf32, #tpu.memory_space<hbm>>) dst(%dma_wait3A_458 : memref<128x64xf32, #tpu.memory_space<vmem>>)
      %dma_wait3A_467 = arith.constant 0 : i32
      %dma_wait3A_468 = arith.constant 2 : i32
      %dma_wait3A_469 = arith.constant 2 : i32
      %dma_wait3A_470 = arith.constant 128 : i32
      %dma_wait3A_471 = arith.constant 0 : i32
      %dma_wait3A_472 = tpu.memref_slice %arg6[%dma_wait3A_468, %dma_wait3A_470, %dma_wait3A_471] : memref<4x256x64xf32, #tpu.memory_space<vmem>> -> memref<1x128x64xf32, #tpu.memory_space<vmem>>
      %dma_wait3A_473 = tpu.memref_squeeze %dma_wait3A_472 : memref<1x128x64xf32, #tpu.memory_space<vmem>> -> memref<128x64xf32, #tpu.memory_space<vmem>>
      %dma_wait3A_474 = arith.constant 0 : i32
      %dma_wait3A_475 = tpu.memref_slice %arg5[%dma_wait3A_467, %dma_wait3A_474] : memref<200x128xi32, #tpu.memory_space<vmem>> -> memref<1x128xi32, #tpu.memory_space<vmem>>
      %dma_wait3A_476 = tpu.memref_squeeze %dma_wait3A_475 : memref<1x128xi32, #tpu.memory_space<vmem>> -> memref<128xi32, #tpu.memory_space<vmem>>
      %dma_wait3A_477 = arith.constant 0 : i32
      %dma_wait3A_478 = arith.constant 0 : i32
      %dma_wait3A_479 = tpu.memref_slice %arg3[%dma_wait3A_477, %dma_wait3A_478] : memref<1000000x64xf32, #tpu.memory_space<hbm>> -> memref<1000000x64xf32, #tpu.memory_space<hbm>>
      %dma_wait3A_480 = tpu.memref_slice %arg7[%dma_wait3A_469] : memref<4x!tpu.dma_semaphore, #tpu.memory_space<semaphore_mem>> -> memref<1x!tpu.dma_semaphore, #tpu.memory_space<semaphore_mem>>
      %dma_wait3A_481 = tpu.memref_squeeze %dma_wait3A_480 : memref<1x!tpu.dma_semaphore, #tpu.memory_space<semaphore_mem>> -> memref<!tpu.dma_semaphore, #tpu.memory_space<semaphore_mem>>
      tpu.wait_indirect_dma semaphore(%dma_wait3A_481 : memref<!tpu.dma_semaphore, #tpu.memory_space<semaphore_mem>>) src(%dma_wait3A_479 : memref<1000000x64xf32, #tpu.memory_space<hbm>>) dst(%dma_wait3A_473 : memref<128x64xf32, #tpu.memory_space<vmem>>)
      %mul3A_482 = arith.constant 256 : i32
      %mul3A_483 = arith.muli %add3A_395, %mul3A_482 : i32
      %add3A_484 = arith.addi %mul3A_2, %mul3A_483 : i32
      %dma_start3A_485 = arith.constant 2 : i32
      %dma_start3A_486 = arith.constant 2 : i32
      %dma_start3A_487 = arith.constant 0 : i32
      %dma_start3A_488 = arith.constant 0 : i32
      %dma_start3A_489 = tpu.memref_slice %arg6[%dma_start3A_485, %dma_start3A_487, %dma_start3A_488] : memref<4x256x64xf32, #tpu.memory_space<vmem>> -> memref<1x256x64xf32, #tpu.memory_space<vmem>>
      %dma_start3A_490 = tpu.memref_squeeze %dma_start3A_489 : memref<1x256x64xf32, #tpu.memory_space<vmem>> -> memref<256x64xf32, #tpu.memory_space<vmem>>
      %dma_start3A_491 = arith.constant 0 : i32
      %dma_start3A_492 = tpu.memref_slice %arg4[%add3A_484, %dma_start3A_491] : memref<819200x64xf32, #tpu.memory_space<hbm>> -> memref<256x64xf32, #tpu.memory_space<hbm>>
      %dma_start3A_493 = tpu.memref_slice %arg8[%dma_start3A_486] : memref<4x!tpu.dma_semaphore, #tpu.memory_space<semaphore_mem>> -> memref<1x!tpu.dma_semaphore, #tpu.memory_space<semaphore_mem>>
      %dma_start3A_494 = tpu.memref_squeeze %dma_start3A_493 : memref<1x!tpu.dma_semaphore, #tpu.memory_space<semaphore_mem>> -> memref<!tpu.dma_semaphore, #tpu.memory_space<semaphore_mem>>
      %dma_start3A_495 = arith.constant 0 : i32
      %dma_start3A_496 = tpu.memref_slice %arg4[%add3A_484, %dma_start3A_495] : memref<819200x64xf32, #tpu.memory_space<hbm>> -> memref<256x64xf32, #tpu.memory_space<hbm>>
      %dma_start3A_497 = arith.constant 0 : i32
      %dma_start3A_498 = arith.constant 0 : i32
      %dma_start3A_499 = tpu.memref_slice %arg6[%dma_start3A_485, %dma_start3A_497, %dma_start3A_498] : memref<4x256x64xf32, #tpu.memory_space<vmem>> -> memref<1x256x64xf32, #tpu.memory_space<vmem>>
      %dma_start3A_500 = tpu.memref_squeeze %dma_start3A_499 : memref<1x256x64xf32, #tpu.memory_space<vmem>> -> memref<256x64xf32, #tpu.memory_space<vmem>>
      tpu.enqueue_dma source(%dma_start3A_500 : memref<256x64xf32, #tpu.memory_space<vmem>>) target(%dma_start3A_496 : memref<256x64xf32, #tpu.memory_space<hbm>>) target_semaphore(%dma_start3A_494 : memref<!tpu.dma_semaphore, #tpu.memory_space<semaphore_mem>>)
      %add3A_501 = arith.constant 1 : i32
      %add3A_502 = arith.addi %add3A_393, %add3A_501 : i32
      %dma_wait3A_503 = arith.constant 1 : i32
      %dma_wait3A_504 = arith.constant 1 : i32
      %dma_wait3A_505 = arith.constant 0 : i32
      %dma_wait3A_506 = arith.constant 0 : i32
      %dma_wait3A_507 = tpu.memref_slice %arg6[%dma_wait3A_503, %dma_wait3A_505, %dma_wait3A_506] : memref<4x256x64xf32, #tpu.memory_space<vmem>> -> memref<1x256x64xf32, #tpu.memory_space<vmem>>
      %dma_wait3A_508 = tpu.memref_squeeze %dma_wait3A_507 : memref<1x256x64xf32, #tpu.memory_space<vmem>> -> memref<256x64xf32, #tpu.memory_space<vmem>>
      %dma_wait3A_509 = arith.constant 0 : i32
      %dma_wait3A_510 = arith.constant 0 : i32
      %dma_wait3A_511 = tpu.memref_slice %arg4[%dma_wait3A_509, %dma_wait3A_510] : memref<819200x64xf32, #tpu.memory_space<hbm>> -> memref<256x64xf32, #tpu.memory_space<hbm>>
      %dma_wait3A_512 = tpu.memref_slice %arg8[%dma_wait3A_504] : memref<4x!tpu.dma_semaphore, #tpu.memory_space<semaphore_mem>> -> memref<1x!tpu.dma_semaphore, #tpu.memory_space<semaphore_mem>>
      %dma_wait3A_513 = tpu.memref_squeeze %dma_wait3A_512 : memref<1x!tpu.dma_semaphore, #tpu.memory_space<semaphore_mem>> -> memref<!tpu.dma_semaphore, #tpu.memory_space<semaphore_mem>>
      %dma_wait3A_514 = arith.constant 0 : i32
      %dma_wait3A_515 = arith.constant 0 : i32
      %dma_wait3A_516 = tpu.memref_slice %arg4[%dma_wait3A_514, %dma_wait3A_515] : memref<819200x64xf32, #tpu.memory_space<hbm>> -> memref<256x64xf32, #tpu.memory_space<hbm>>
      %dma_wait3A_517 = arith.constant 0 : i32
      %dma_wait3A_518 = arith.constant 0 : i32
      %dma_wait3A_519 = tpu.memref_slice %arg6[%dma_wait3A_503, %dma_wait3A_517, %dma_wait3A_518] : memref<4x256x64xf32, #tpu.memory_space<vmem>> -> memref<1x256x64xf32, #tpu.memory_space<vmem>>
      %dma_wait3A_520 = tpu.memref_squeeze %dma_wait3A_519 : memref<1x256x64xf32, #tpu.memory_space<vmem>> -> memref<256x64xf32, #tpu.memory_space<vmem>>
      tpu.wait_dma2 semaphore(%dma_wait3A_513 : memref<!tpu.dma_semaphore, #tpu.memory_space<semaphore_mem>>) src(%dma_wait3A_520 : memref<256x64xf32, #tpu.memory_space<vmem>>) dst(%dma_wait3A_516 : memref<256x64xf32, #tpu.memory_space<hbm>>)
      %add3A_521 = arith.constant 2 : i32
      %add3A_522 = arith.addi %add3A_502, %add3A_521 : i32
      %mul3A_523 = arith.constant 2 : i32
      %mul3A_524 = arith.muli %add3A_522, %mul3A_523 : i32
      %add3A_525 = arith.constant 0 : i32
      %add3A_526 = arith.addi %mul3A_524, %add3A_525 : i32
      %dma_start3A_527 = arith.constant 1 : i32
      %dma_start3A_528 = arith.constant 1 : i32
      %dma_start3A_529 = arith.constant 0 : i32
      %dma_start3A_530 = arith.constant 0 : i32
      %dma_start3A_531 = tpu.memref_slice %arg6[%dma_start3A_527, %dma_start3A_529, %dma_start3A_530] : memref<4x256x64xf32, #tpu.memory_space<vmem>> -> memref<1x128x64xf32, #tpu.memory_space<vmem>>
      %dma_start3A_532 = tpu.memref_squeeze %dma_start3A_531 : memref<1x128x64xf32, #tpu.memory_space<vmem>> -> memref<128x64xf32, #tpu.memory_space<vmem>>
      %dma_start3A_533 = arith.constant 0 : i32
      %dma_start3A_534 = tpu.memref_slice %arg5[%add3A_526, %dma_start3A_533] : memref<200x128xi32, #tpu.memory_space<vmem>> -> memref<1x128xi32, #tpu.memory_space<vmem>>
      %dma_start3A_535 = tpu.memref_squeeze %dma_start3A_534 : memref<1x128xi32, #tpu.memory_space<vmem>> -> memref<128xi32, #tpu.memory_space<vmem>>
      %dma_start3A_536 = arith.constant 0 : i32
      %dma_start3A_537 = arith.constant 0 : i32
      %dma_start3A_538 = tpu.memref_slice %arg3[%dma_start3A_536, %dma_start3A_537] : memref<1000000x64xf32, #tpu.memory_space<hbm>> -> memref<1000000x64xf32, #tpu.memory_space<hbm>>
      %dma_start3A_539 = tpu.memref_slice %arg7[%dma_start3A_528] : memref<4x!tpu.dma_semaphore, #tpu.memory_space<semaphore_mem>> -> memref<1x!tpu.dma_semaphore, #tpu.memory_space<semaphore_mem>>
      %dma_start3A_540 = tpu.memref_squeeze %dma_start3A_539 : memref<1x!tpu.dma_semaphore, #tpu.memory_space<semaphore_mem>> -> memref<!tpu.dma_semaphore, #tpu.memory_space<semaphore_mem>>
      tpu.enqueue_indirect_dma source(%dma_start3A_538 : memref<1000000x64xf32, #tpu.memory_space<hbm>>) target(%dma_start3A_532 : memref<128x64xf32, #tpu.memory_space<vmem>>) offsets(%dma_start3A_535 : memref<128xi32, #tpu.memory_space<vmem>>) semaphore(%dma_start3A_540 : memref<!tpu.dma_semaphore, #tpu.memory_space<semaphore_mem>>)
      %mul3A_541 = arith.constant 2 : i32
      %mul3A_542 = arith.muli %add3A_522, %mul3A_541 : i32
      %add3A_543 = arith.constant 1 : i32
      %add3A_544 = arith.addi %mul3A_542, %add3A_543 : i32
      %dma_start3A_545 = arith.constant 1 : i32
      %dma_start3A_546 = arith.constant 1 : i32
      %dma_start3A_547 = arith.constant 128 : i32
      %dma_start3A_548 = arith.constant 0 : i32
      %dma_start3A_549 = tpu.memref_slice %arg6[%dma_start3A_545, %dma_start3A_547, %dma_start3A_548] : memref<4x256x64xf32, #tpu.memory_space<vmem>> -> memref<1x128x64xf32, #tpu.memory_space<vmem>>
      %dma_start3A_550 = tpu.memref_squeeze %dma_start3A_549 : memref<1x128x64xf32, #tpu.memory_space<vmem>> -> memref<128x64xf32, #tpu.memory_space<vmem>>
      %dma_start3A_551 = arith.constant 0 : i32
      %dma_start3A_552 = tpu.memref_slice %arg5[%add3A_544, %dma_start3A_551] : memref<200x128xi32, #tpu.memory_space<vmem>> -> memref<1x128xi32, #tpu.memory_space<vmem>>
      %dma_start3A_553 = tpu.memref_squeeze %dma_start3A_552 : memref<1x128xi32, #tpu.memory_space<vmem>> -> memref<128xi32, #tpu.memory_space<vmem>>
      %dma_start3A_554 = arith.constant 0 : i32
      %dma_start3A_555 = arith.constant 0 : i32
      %dma_start3A_556 = tpu.memref_slice %arg3[%dma_start3A_554, %dma_start3A_555] : memref<1000000x64xf32, #tpu.memory_space<hbm>> -> memref<1000000x64xf32, #tpu.memory_space<hbm>>
      %dma_start3A_557 = tpu.memref_slice %arg7[%dma_start3A_546] : memref<4x!tpu.dma_semaphore, #tpu.memory_space<semaphore_mem>> -> memref<1x!tpu.dma_semaphore, #tpu.memory_space<semaphore_mem>>
      %dma_start3A_558 = tpu.memref_squeeze %dma_start3A_557 : memref<1x!tpu.dma_semaphore, #tpu.memory_space<semaphore_mem>> -> memref<!tpu.dma_semaphore, #tpu.memory_space<semaphore_mem>>
      tpu.enqueue_indirect_dma source(%dma_start3A_556 : memref<1000000x64xf32, #tpu.memory_space<hbm>>) target(%dma_start3A_550 : memref<128x64xf32, #tpu.memory_space<vmem>>) offsets(%dma_start3A_553 : memref<128xi32, #tpu.memory_space<vmem>>) semaphore(%dma_start3A_558 : memref<!tpu.dma_semaphore, #tpu.memory_space<semaphore_mem>>)
      %dma_wait3A_559 = arith.constant 0 : i32
      %dma_wait3A_560 = arith.constant 3 : i32
      %dma_wait3A_561 = arith.constant 3 : i32
      %dma_wait3A_562 = arith.constant 0 : i32
      %dma_wait3A_563 = arith.constant 0 : i32
      %dma_wait3A_564 = tpu.memref_slice %arg6[%dma_wait3A_560, %dma_wait3A_562, %dma_wait3A_563] : memref<4x256x64xf32, #tpu.memory_space<vmem>> -> memref<1x128x64xf32, #tpu.memory_space<vmem>>
      %dma_wait3A_565 = tpu.memref_squeeze %dma_wait3A_564 : memref<1x128x64xf32, #tpu.memory_space<vmem>> -> memref<128x64xf32, #tpu.memory_space<vmem>>
      %dma_wait3A_566 = arith.constant 0 : i32
      %dma_wait3A_567 = tpu.memref_slice %arg5[%dma_wait3A_559, %dma_wait3A_566] : memref<200x128xi32, #tpu.memory_space<vmem>> -> memref<1x128xi32, #tpu.memory_space<vmem>>
      %dma_wait3A_568 = tpu.memref_squeeze %dma_wait3A_567 : memref<1x128xi32, #tpu.memory_space<vmem>> -> memref<128xi32, #tpu.memory_space<vmem>>
      %dma_wait3A_569 = arith.constant 0 : i32
      %dma_wait3A_570 = arith.constant 0 : i32
      %dma_wait3A_571 = tpu.memref_slice %arg3[%dma_wait3A_569, %dma_wait3A_570] : memref<1000000x64xf32, #tpu.memory_space<hbm>> -> memref<1000000x64xf32, #tpu.memory_space<hbm>>
      %dma_wait3A_572 = tpu.memref_slice %arg7[%dma_wait3A_561] : memref<4x!tpu.dma_semaphore, #tpu.memory_space<semaphore_mem>> -> memref<1x!tpu.dma_semaphore, #tpu.memory_space<semaphore_mem>>
      %dma_wait3A_573 = tpu.memref_squeeze %dma_wait3A_572 : memref<1x!tpu.dma_semaphore, #tpu.memory_space<semaphore_mem>> -> memref<!tpu.dma_semaphore, #tpu.memory_space<semaphore_mem>>
      tpu.wait_indirect_dma semaphore(%dma_wait3A_573 : memref<!tpu.dma_semaphore, #tpu.memory_space<semaphore_mem>>) src(%dma_wait3A_571 : memref<1000000x64xf32, #tpu.memory_space<hbm>>) dst(%dma_wait3A_565 : memref<128x64xf32, #tpu.memory_space<vmem>>)
      %dma_wait3A_574 = arith.constant 0 : i32
      %dma_wait3A_575 = arith.constant 3 : i32
      %dma_wait3A_576 = arith.constant 3 : i32
      %dma_wait3A_577 = arith.constant 128 : i32
      %dma_wait3A_578 = arith.constant 0 : i32
      %dma_wait3A_579 = tpu.memref_slice %arg6[%dma_wait3A_575, %dma_wait3A_577, %dma_wait3A_578] : memref<4x256x64xf32, #tpu.memory_space<vmem>> -> memref<1x128x64xf32, #tpu.memory_space<vmem>>
      %dma_wait3A_580 = tpu.memref_squeeze %dma_wait3A_579 : memref<1x128x64xf32, #tpu.memory_space<vmem>> -> memref<128x64xf32, #tpu.memory_space<vmem>>
      %dma_wait3A_581 = arith.constant 0 : i32
      %dma_wait3A_582 = tpu.memref_slice %arg5[%dma_wait3A_574, %dma_wait3A_581] : memref<200x128xi32, #tpu.memory_space<vmem>> -> memref<1x128xi32, #tpu.memory_space<vmem>>
      %dma_wait3A_583 = tpu.memref_squeeze %dma_wait3A_582 : memref<1x128xi32, #tpu.memory_space<vmem>> -> memref<128xi32, #tpu.memory_space<vmem>>
      %dma_wait3A_584 = arith.constant 0 : i32
      %dma_wait3A_585 = arith.constant 0 : i32
      %dma_wait3A_586 = tpu.memref_slice %arg3[%dma_wait3A_584, %dma_wait3A_585] : memref<1000000x64xf32, #tpu.memory_space<hbm>> -> memref<1000000x64xf32, #tpu.memory_space<hbm>>
      %dma_wait3A_587 = tpu.memref_slice %arg7[%dma_wait3A_576] : memref<4x!tpu.dma_semaphore, #tpu.memory_space<semaphore_mem>> -> memref<1x!tpu.dma_semaphore, #tpu.memory_space<semaphore_mem>>
      %dma_wait3A_588 = tpu.memref_squeeze %dma_wait3A_587 : memref<1x!tpu.dma_semaphore, #tpu.memory_space<semaphore_mem>> -> memref<!tpu.dma_semaphore, #tpu.memory_space<semaphore_mem>>
      tpu.wait_indirect_dma semaphore(%dma_wait3A_588 : memref<!tpu.dma_semaphore, #tpu.memory_space<semaphore_mem>>) src(%dma_wait3A_586 : memref<1000000x64xf32, #tpu.memory_space<hbm>>) dst(%dma_wait3A_580 : memref<128x64xf32, #tpu.memory_space<vmem>>)
      %mul3A_589 = arith.constant 256 : i32
      %mul3A_590 = arith.muli %add3A_502, %mul3A_589 : i32
      %add3A_591 = arith.addi %mul3A_2, %mul3A_590 : i32
      %dma_start3A_592 = arith.constant 3 : i32
      %dma_start3A_593 = arith.constant 3 : i32
      %dma_start3A_594 = arith.constant 0 : i32
      %dma_start3A_595 = arith.constant 0 : i32
      %dma_start3A_596 = tpu.memref_slice %arg6[%dma_start3A_592, %dma_start3A_594, %dma_start3A_595] : memref<4x256x64xf32, #tpu.memory_space<vmem>> -> memref<1x256x64xf32, #tpu.memory_space<vmem>>
      %dma_start3A_597 = tpu.memref_squeeze %dma_start3A_596 : memref<1x256x64xf32, #tpu.memory_space<vmem>> -> memref<256x64xf32, #tpu.memory_space<vmem>>
      %dma_start3A_598 = arith.constant 0 : i32
      %dma_start3A_599 = tpu.memref_slice %arg4[%add3A_591, %dma_start3A_598] : memref<819200x64xf32, #tpu.memory_space<hbm>> -> memref<256x64xf32, #tpu.memory_space<hbm>>
      %dma_start3A_600 = tpu.memref_slice %arg8[%dma_start3A_593] : memref<4x!tpu.dma_semaphore, #tpu.memory_space<semaphore_mem>> -> memref<1x!tpu.dma_semaphore, #tpu.memory_space<semaphore_mem>>
      %dma_start3A_601 = tpu.memref_squeeze %dma_start3A_600 : memref<1x!tpu.dma_semaphore, #tpu.memory_space<semaphore_mem>> -> memref<!tpu.dma_semaphore, #tpu.memory_space<semaphore_mem>>
      %dma_start3A_602 = arith.constant 0 : i32
      %dma_start3A_603 = tpu.memref_slice %arg4[%add3A_591, %dma_start3A_602] : memref<819200x64xf32, #tpu.memory_space<hbm>> -> memref<256x64xf32, #tpu.memory_space<hbm>>
      %dma_start3A_604 = arith.constant 0 : i32
      %dma_start3A_605 = arith.constant 0 : i32
      %dma_start3A_606 = tpu.memref_slice %arg6[%dma_start3A_592, %dma_start3A_604, %dma_start3A_605] : memref<4x256x64xf32, #tpu.memory_space<vmem>> -> memref<1x256x64xf32, #tpu.memory_space<vmem>>
      %dma_start3A_607 = tpu.memref_squeeze %dma_start3A_606 : memref<1x256x64xf32, #tpu.memory_space<vmem>> -> memref<256x64xf32, #tpu.memory_space<vmem>>
      tpu.enqueue_dma source(%dma_start3A_607 : memref<256x64xf32, #tpu.memory_space<vmem>>) target(%dma_start3A_603 : memref<256x64xf32, #tpu.memory_space<hbm>>) target_semaphore(%dma_start3A_601 : memref<!tpu.dma_semaphore, #tpu.memory_space<semaphore_mem>>)
      %add3A_608 = arith.constant 2 : i32
      %add3A_609 = arith.addi %add3A_393, %add3A_608 : i32
      %dma_wait3A_610 = arith.constant 2 : i32
      %dma_wait3A_611 = arith.constant 2 : i32
      %dma_wait3A_612 = arith.constant 0 : i32
      %dma_wait3A_613 = arith.constant 0 : i32
      %dma_wait3A_614 = tpu.memref_slice %arg6[%dma_wait3A_610, %dma_wait3A_612, %dma_wait3A_613] : memref<4x256x64xf32, #tpu.memory_space<vmem>> -> memref<1x256x64xf32, #tpu.memory_space<vmem>>
      %dma_wait3A_615 = tpu.memref_squeeze %dma_wait3A_614 : memref<1x256x64xf32, #tpu.memory_space<vmem>> -> memref<256x64xf32, #tpu.memory_space<vmem>>
      %dma_wait3A_616 = arith.constant 0 : i32
      %dma_wait3A_617 = arith.constant 0 : i32
      %dma_wait3A_618 = tpu.memref_slice %arg4[%dma_wait3A_616, %dma_wait3A_617] : memref<819200x64xf32, #tpu.memory_space<hbm>> -> memref<256x64xf32, #tpu.memory_space<hbm>>
      %dma_wait3A_619 = tpu.memref_slice %arg8[%dma_wait3A_611] : memref<4x!tpu.dma_semaphore, #tpu.memory_space<semaphore_mem>> -> memref<1x!tpu.dma_semaphore, #tpu.memory_space<semaphore_mem>>
      %dma_wait3A_620 = tpu.memref_squeeze %dma_wait3A_619 : memref<1x!tpu.dma_semaphore, #tpu.memory_space<semaphore_mem>> -> memref<!tpu.dma_semaphore, #tpu.memory_space<semaphore_mem>>
      %dma_wait3A_621 = arith.constant 0 : i32
      %dma_wait3A_622 = arith.constant 0 : i32
      %dma_wait3A_623 = tpu.memref_slice %arg4[%dma_wait3A_621, %dma_wait3A_622] : memref<819200x64xf32, #tpu.memory_space<hbm>> -> memref<256x64xf32, #tpu.memory_space<hbm>>
      %dma_wait3A_624 = arith.constant 0 : i32
      %dma_wait3A_625 = arith.constant 0 : i32
      %dma_wait3A_626 = tpu.memref_slice %arg6[%dma_wait3A_610, %dma_wait3A_624, %dma_wait3A_625] : memref<4x256x64xf32, #tpu.memory_space<vmem>> -> memref<1x256x64xf32, #tpu.memory_space<vmem>>
      %dma_wait3A_627 = tpu.memref_squeeze %dma_wait3A_626 : memref<1x256x64xf32, #tpu.memory_space<vmem>> -> memref<256x64xf32, #tpu.memory_space<vmem>>
      tpu.wait_dma2 semaphore(%dma_wait3A_620 : memref<!tpu.dma_semaphore, #tpu.memory_space<semaphore_mem>>) src(%dma_wait3A_627 : memref<256x64xf32, #tpu.memory_space<vmem>>) dst(%dma_wait3A_623 : memref<256x64xf32, #tpu.memory_space<hbm>>)
      %add3A_628 = arith.constant 2 : i32
      %add3A_629 = arith.addi %add3A_609, %add3A_628 : i32
      %mul3A_630 = arith.constant 2 : i32
      %mul3A_631 = arith.muli %add3A_629, %mul3A_630 : i32
      %add3A_632 = arith.constant 0 : i32
      %add3A_633 = arith.addi %mul3A_631, %add3A_632 : i32
      %dma_start3A_634 = arith.constant 2 : i32
      %dma_start3A_635 = arith.constant 2 : i32
      %dma_start3A_636 = arith.constant 0 : i32
      %dma_start3A_637 = arith.constant 0 : i32
      %dma_start3A_638 = tpu.memref_slice %arg6[%dma_start3A_634, %dma_start3A_636, %dma_start3A_637] : memref<4x256x64xf32, #tpu.memory_space<vmem>> -> memref<1x128x64xf32, #tpu.memory_space<vmem>>
      %dma_start3A_639 = tpu.memref_squeeze %dma_start3A_638 : memref<1x128x64xf32, #tpu.memory_space<vmem>> -> memref<128x64xf32, #tpu.memory_space<vmem>>
      %dma_start3A_640 = arith.constant 0 : i32
      %dma_start3A_641 = tpu.memref_slice %arg5[%add3A_633, %dma_start3A_640] : memref<200x128xi32, #tpu.memory_space<vmem>> -> memref<1x128xi32, #tpu.memory_space<vmem>>
      %dma_start3A_642 = tpu.memref_squeeze %dma_start3A_641 : memref<1x128xi32, #tpu.memory_space<vmem>> -> memref<128xi32, #tpu.memory_space<vmem>>
      %dma_start3A_643 = arith.constant 0 : i32
      %dma_start3A_644 = arith.constant 0 : i32
      %dma_start3A_645 = tpu.memref_slice %arg3[%dma_start3A_643, %dma_start3A_644] : memref<1000000x64xf32, #tpu.memory_space<hbm>> -> memref<1000000x64xf32, #tpu.memory_space<hbm>>
      %dma_start3A_646 = tpu.memref_slice %arg7[%dma_start3A_635] : memref<4x!tpu.dma_semaphore, #tpu.memory_space<semaphore_mem>> -> memref<1x!tpu.dma_semaphore, #tpu.memory_space<semaphore_mem>>
      %dma_start3A_647 = tpu.memref_squeeze %dma_start3A_646 : memref<1x!tpu.dma_semaphore, #tpu.memory_space<semaphore_mem>> -> memref<!tpu.dma_semaphore, #tpu.memory_space<semaphore_mem>>
      tpu.enqueue_indirect_dma source(%dma_start3A_645 : memref<1000000x64xf32, #tpu.memory_space<hbm>>) target(%dma_start3A_639 : memref<128x64xf32, #tpu.memory_space<vmem>>) offsets(%dma_start3A_642 : memref<128xi32, #tpu.memory_space<vmem>>) semaphore(%dma_start3A_647 : memref<!tpu.dma_semaphore, #tpu.memory_space<semaphore_mem>>)
      %mul3A_648 = arith.constant 2 : i32
      %mul3A_649 = arith.muli %add3A_629, %mul3A_648 : i32
      %add3A_650 = arith.constant 1 : i32
      %add3A_651 = arith.addi %mul3A_649, %add3A_650 : i32
      %dma_start3A_652 = arith.constant 2 : i32
      %dma_start3A_653 = arith.constant 2 : i32
      %dma_start3A_654 = arith.constant 128 : i32
      %dma_start3A_655 = arith.constant 0 : i32
      %dma_start3A_656 = tpu.memref_slice %arg6[%dma_start3A_652, %dma_start3A_654, %dma_start3A_655] : memref<4x256x64xf32, #tpu.memory_space<vmem>> -> memref<1x128x64xf32, #tpu.memory_space<vmem>>
      %dma_start3A_657 = tpu.memref_squeeze %dma_start3A_656 : memref<1x128x64xf32, #tpu.memory_space<vmem>> -> memref<128x64xf32, #tpu.memory_space<vmem>>
      %dma_start3A_658 = arith.constant 0 : i32
      %dma_start3A_659 = tpu.memref_slice %arg5[%add3A_651, %dma_start3A_658] : memref<200x128xi32, #tpu.memory_space<vmem>> -> memref<1x128xi32, #tpu.memory_space<vmem>>
      %dma_start3A_660 = tpu.memref_squeeze %dma_start3A_659 : memref<1x128xi32, #tpu.memory_space<vmem>> -> memref<128xi32, #tpu.memory_space<vmem>>
      %dma_start3A_661 = arith.constant 0 : i32
      %dma_start3A_662 = arith.constant 0 : i32
      %dma_start3A_663 = tpu.memref_slice %arg3[%dma_start3A_661, %dma_start3A_662] : memref<1000000x64xf32, #tpu.memory_space<hbm>> -> memref<1000000x64xf32, #tpu.memory_space<hbm>>
      %dma_start3A_664 = tpu.memref_slice %arg7[%dma_start3A_653] : memref<4x!tpu.dma_semaphore, #tpu.memory_space<semaphore_mem>> -> memref<1x!tpu.dma_semaphore, #tpu.memory_space<semaphore_mem>>
      %dma_start3A_665 = tpu.memref_squeeze %dma_start3A_664 : memref<1x!tpu.dma_semaphore, #tpu.memory_space<semaphore_mem>> -> memref<!tpu.dma_semaphore, #tpu.memory_space<semaphore_mem>>
      tpu.enqueue_indirect_dma source(%dma_start3A_663 : memref<1000000x64xf32, #tpu.memory_space<hbm>>) target(%dma_start3A_657 : memref<128x64xf32, #tpu.memory_space<vmem>>) offsets(%dma_start3A_660 : memref<128xi32, #tpu.memory_space<vmem>>) semaphore(%dma_start3A_665 : memref<!tpu.dma_semaphore, #tpu.memory_space<semaphore_mem>>)
      %dma_wait3A_666 = arith.constant 0 : i32
      %dma_wait3A_667 = arith.constant 0 : i32
      %dma_wait3A_668 = arith.constant 0 : i32
      %dma_wait3A_669 = arith.constant 0 : i32
      %dma_wait3A_670 = arith.constant 0 : i32
      %dma_wait3A_671 = tpu.memref_slice %arg6[%dma_wait3A_667, %dma_wait3A_669, %dma_wait3A_670] : memref<4x256x64xf32, #tpu.memory_space<vmem>> -> memref<1x128x64xf32, #tpu.memory_space<vmem>>
      %dma_wait3A_672 = tpu.memref_squeeze %dma_wait3A_671 : memref<1x128x64xf32, #tpu.memory_space<vmem>> -> memref<128x64xf32, #tpu.memory_space<vmem>>
      %dma_wait3A_673 = arith.constant 0 : i32
      %dma_wait3A_674 = tpu.memref_slice %arg5[%dma_wait3A_666, %dma_wait3A_673] : memref<200x128xi32, #tpu.memory_space<vmem>> -> memref<1x128xi32, #tpu.memory_space<vmem>>
      %dma_wait3A_675 = tpu.memref_squeeze %dma_wait3A_674 : memref<1x128xi32, #tpu.memory_space<vmem>> -> memref<128xi32, #tpu.memory_space<vmem>>
      %dma_wait3A_676 = arith.constant 0 : i32
      %dma_wait3A_677 = arith.constant 0 : i32
      %dma_wait3A_678 = tpu.memref_slice %arg3[%dma_wait3A_676, %dma_wait3A_677] : memref<1000000x64xf32, #tpu.memory_space<hbm>> -> memref<1000000x64xf32, #tpu.memory_space<hbm>>
      %dma_wait3A_679 = tpu.memref_slice %arg7[%dma_wait3A_668] : memref<4x!tpu.dma_semaphore, #tpu.memory_space<semaphore_mem>> -> memref<1x!tpu.dma_semaphore, #tpu.memory_space<semaphore_mem>>
      %dma_wait3A_680 = tpu.memref_squeeze %dma_wait3A_679 : memref<1x!tpu.dma_semaphore, #tpu.memory_space<semaphore_mem>> -> memref<!tpu.dma_semaphore, #tpu.memory_space<semaphore_mem>>
      tpu.wait_indirect_dma semaphore(%dma_wait3A_680 : memref<!tpu.dma_semaphore, #tpu.memory_space<semaphore_mem>>) src(%dma_wait3A_678 : memref<1000000x64xf32, #tpu.memory_space<hbm>>) dst(%dma_wait3A_672 : memref<128x64xf32, #tpu.memory_space<vmem>>)
      %dma_wait3A_681 = arith.constant 0 : i32
      %dma_wait3A_682 = arith.constant 0 : i32
      %dma_wait3A_683 = arith.constant 0 : i32
      %dma_wait3A_684 = arith.constant 128 : i32
      %dma_wait3A_685 = arith.constant 0 : i32
      %dma_wait3A_686 = tpu.memref_slice %arg6[%dma_wait3A_682, %dma_wait3A_684, %dma_wait3A_685] : memref<4x256x64xf32, #tpu.memory_space<vmem>> -> memref<1x128x64xf32, #tpu.memory_space<vmem>>
      %dma_wait3A_687 = tpu.memref_squeeze %dma_wait3A_686 : memref<1x128x64xf32, #tpu.memory_space<vmem>> -> memref<128x64xf32, #tpu.memory_space<vmem>>
      %dma_wait3A_688 = arith.constant 0 : i32
      %dma_wait3A_689 = tpu.memref_slice %arg5[%dma_wait3A_681, %dma_wait3A_688] : memref<200x128xi32, #tpu.memory_space<vmem>> -> memref<1x128xi32, #tpu.memory_space<vmem>>
      %dma_wait3A_690 = tpu.memref_squeeze %dma_wait3A_689 : memref<1x128xi32, #tpu.memory_space<vmem>> -> memref<128xi32, #tpu.memory_space<vmem>>
      %dma_wait3A_691 = arith.constant 0 : i32
      %dma_wait3A_692 = arith.constant 0 : i32
      %dma_wait3A_693 = tpu.memref_slice %arg3[%dma_wait3A_691, %dma_wait3A_692] : memref<1000000x64xf32, #tpu.memory_space<hbm>> -> memref<1000000x64xf32, #tpu.memory_space<hbm>>
      %dma_wait3A_694 = tpu.memref_slice %arg7[%dma_wait3A_683] : memref<4x!tpu.dma_semaphore, #tpu.memory_space<semaphore_mem>> -> memref<1x!tpu.dma_semaphore, #tpu.memory_space<semaphore_mem>>
      %dma_wait3A_695 = tpu.memref_squeeze %dma_wait3A_694 : memref<1x!tpu.dma_semaphore, #tpu.memory_space<semaphore_mem>> -> memref<!tpu.dma_semaphore, #tpu.memory_space<semaphore_mem>>
      tpu.wait_indirect_dma semaphore(%dma_wait3A_695 : memref<!tpu.dma_semaphore, #tpu.memory_space<semaphore_mem>>) src(%dma_wait3A_693 : memref<1000000x64xf32, #tpu.memory_space<hbm>>) dst(%dma_wait3A_687 : memref<128x64xf32, #tpu.memory_space<vmem>>)
      %mul3A_696 = arith.constant 256 : i32
      %mul3A_697 = arith.muli %add3A_609, %mul3A_696 : i32
      %add3A_698 = arith.addi %mul3A_2, %mul3A_697 : i32
      %dma_start3A_699 = arith.constant 0 : i32
      %dma_start3A_700 = arith.constant 0 : i32
      %dma_start3A_701 = arith.constant 0 : i32
      %dma_start3A_702 = arith.constant 0 : i32
      %dma_start3A_703 = tpu.memref_slice %arg6[%dma_start3A_699, %dma_start3A_701, %dma_start3A_702] : memref<4x256x64xf32, #tpu.memory_space<vmem>> -> memref<1x256x64xf32, #tpu.memory_space<vmem>>
      %dma_start3A_704 = tpu.memref_squeeze %dma_start3A_703 : memref<1x256x64xf32, #tpu.memory_space<vmem>> -> memref<256x64xf32, #tpu.memory_space<vmem>>
      %dma_start3A_705 = arith.constant 0 : i32
      %dma_start3A_706 = tpu.memref_slice %arg4[%add3A_698, %dma_start3A_705] : memref<819200x64xf32, #tpu.memory_space<hbm>> -> memref<256x64xf32, #tpu.memory_space<hbm>>
      %dma_start3A_707 = tpu.memref_slice %arg8[%dma_start3A_700] : memref<4x!tpu.dma_semaphore, #tpu.memory_space<semaphore_mem>> -> memref<1x!tpu.dma_semaphore, #tpu.memory_space<semaphore_mem>>
      %dma_start3A_708 = tpu.memref_squeeze %dma_start3A_707 : memref<1x!tpu.dma_semaphore, #tpu.memory_space<semaphore_mem>> -> memref<!tpu.dma_semaphore, #tpu.memory_space<semaphore_mem>>
      %dma_start3A_709 = arith.constant 0 : i32
      %dma_start3A_710 = tpu.memref_slice %arg4[%add3A_698, %dma_start3A_709] : memref<819200x64xf32, #tpu.memory_space<hbm>> -> memref<256x64xf32, #tpu.memory_space<hbm>>
      %dma_start3A_711 = arith.constant 0 : i32
      %dma_start3A_712 = arith.constant 0 : i32
      %dma_start3A_713 = tpu.memref_slice %arg6[%dma_start3A_699, %dma_start3A_711, %dma_start3A_712] : memref<4x256x64xf32, #tpu.memory_space<vmem>> -> memref<1x256x64xf32, #tpu.memory_space<vmem>>
      %dma_start3A_714 = tpu.memref_squeeze %dma_start3A_713 : memref<1x256x64xf32, #tpu.memory_space<vmem>> -> memref<256x64xf32, #tpu.memory_space<vmem>>
      tpu.enqueue_dma source(%dma_start3A_714 : memref<256x64xf32, #tpu.memory_space<vmem>>) target(%dma_start3A_710 : memref<256x64xf32, #tpu.memory_space<hbm>>) target_semaphore(%dma_start3A_708 : memref<!tpu.dma_semaphore, #tpu.memory_space<semaphore_mem>>)
      %add3A_715 = arith.constant 3 : i32
      %add3A_716 = arith.addi %add3A_393, %add3A_715 : i32
      %dma_wait3A_717 = arith.constant 3 : i32
      %dma_wait3A_718 = arith.constant 3 : i32
      %dma_wait3A_719 = arith.constant 0 : i32
      %dma_wait3A_720 = arith.constant 0 : i32
      %dma_wait3A_721 = tpu.memref_slice %arg6[%dma_wait3A_717, %dma_wait3A_719, %dma_wait3A_720] : memref<4x256x64xf32, #tpu.memory_space<vmem>> -> memref<1x256x64xf32, #tpu.memory_space<vmem>>
      %dma_wait3A_722 = tpu.memref_squeeze %dma_wait3A_721 : memref<1x256x64xf32, #tpu.memory_space<vmem>> -> memref<256x64xf32, #tpu.memory_space<vmem>>
      %dma_wait3A_723 = arith.constant 0 : i32
      %dma_wait3A_724 = arith.constant 0 : i32
      %dma_wait3A_725 = tpu.memref_slice %arg4[%dma_wait3A_723, %dma_wait3A_724] : memref<819200x64xf32, #tpu.memory_space<hbm>> -> memref<256x64xf32, #tpu.memory_space<hbm>>
      %dma_wait3A_726 = tpu.memref_slice %arg8[%dma_wait3A_718] : memref<4x!tpu.dma_semaphore, #tpu.memory_space<semaphore_mem>> -> memref<1x!tpu.dma_semaphore, #tpu.memory_space<semaphore_mem>>
      %dma_wait3A_727 = tpu.memref_squeeze %dma_wait3A_726 : memref<1x!tpu.dma_semaphore, #tpu.memory_space<semaphore_mem>> -> memref<!tpu.dma_semaphore, #tpu.memory_space<semaphore_mem>>
      %dma_wait3A_728 = arith.constant 0 : i32
      %dma_wait3A_729 = arith.constant 0 : i32
      %dma_wait3A_730 = tpu.memref_slice %arg4[%dma_wait3A_728, %dma_wait3A_729] : memref<819200x64xf32, #tpu.memory_space<hbm>> -> memref<256x64xf32, #tpu.memory_space<hbm>>
      %dma_wait3A_731 = arith.constant 0 : i32
      %dma_wait3A_732 = arith.constant 0 : i32
      %dma_wait3A_733 = tpu.memref_slice %arg6[%dma_wait3A_717, %dma_wait3A_731, %dma_wait3A_732] : memref<4x256x64xf32, #tpu.memory_space<vmem>> -> memref<1x256x64xf32, #tpu.memory_space<vmem>>
      %dma_wait3A_734 = tpu.memref_squeeze %dma_wait3A_733 : memref<1x256x64xf32, #tpu.memory_space<vmem>> -> memref<256x64xf32, #tpu.memory_space<vmem>>
      tpu.wait_dma2 semaphore(%dma_wait3A_727 : memref<!tpu.dma_semaphore, #tpu.memory_space<semaphore_mem>>) src(%dma_wait3A_734 : memref<256x64xf32, #tpu.memory_space<vmem>>) dst(%dma_wait3A_730 : memref<256x64xf32, #tpu.memory_space<hbm>>)
      %add3A_735 = arith.constant 2 : i32
      %add3A_736 = arith.addi %add3A_716, %add3A_735 : i32
      %mul3A_737 = arith.constant 2 : i32
      %mul3A_738 = arith.muli %add3A_736, %mul3A_737 : i32
      %add3A_739 = arith.constant 0 : i32
      %add3A_740 = arith.addi %mul3A_738, %add3A_739 : i32
      %dma_start3A_741 = arith.constant 3 : i32
      %dma_start3A_742 = arith.constant 3 : i32
      %dma_start3A_743 = arith.constant 0 : i32
      %dma_start3A_744 = arith.constant 0 : i32
      %dma_start3A_745 = tpu.memref_slice %arg6[%dma_start3A_741, %dma_start3A_743, %dma_start3A_744] : memref<4x256x64xf32, #tpu.memory_space<vmem>> -> memref<1x128x64xf32, #tpu.memory_space<vmem>>
      %dma_start3A_746 = tpu.memref_squeeze %dma_start3A_745 : memref<1x128x64xf32, #tpu.memory_space<vmem>> -> memref<128x64xf32, #tpu.memory_space<vmem>>
      %dma_start3A_747 = arith.constant 0 : i32
      %dma_start3A_748 = tpu.memref_slice %arg5[%add3A_740, %dma_start3A_747] : memref<200x128xi32, #tpu.memory_space<vmem>> -> memref<1x128xi32, #tpu.memory_space<vmem>>
      %dma_start3A_749 = tpu.memref_squeeze %dma_start3A_748 : memref<1x128xi32, #tpu.memory_space<vmem>> -> memref<128xi32, #tpu.memory_space<vmem>>
      %dma_start3A_750 = arith.constant 0 : i32
      %dma_start3A_751 = arith.constant 0 : i32
      %dma_start3A_752 = tpu.memref_slice %arg3[%dma_start3A_750, %dma_start3A_751] : memref<1000000x64xf32, #tpu.memory_space<hbm>> -> memref<1000000x64xf32, #tpu.memory_space<hbm>>
      %dma_start3A_753 = tpu.memref_slice %arg7[%dma_start3A_742] : memref<4x!tpu.dma_semaphore, #tpu.memory_space<semaphore_mem>> -> memref<1x!tpu.dma_semaphore, #tpu.memory_space<semaphore_mem>>
      %dma_start3A_754 = tpu.memref_squeeze %dma_start3A_753 : memref<1x!tpu.dma_semaphore, #tpu.memory_space<semaphore_mem>> -> memref<!tpu.dma_semaphore, #tpu.memory_space<semaphore_mem>>
      tpu.enqueue_indirect_dma source(%dma_start3A_752 : memref<1000000x64xf32, #tpu.memory_space<hbm>>) target(%dma_start3A_746 : memref<128x64xf32, #tpu.memory_space<vmem>>) offsets(%dma_start3A_749 : memref<128xi32, #tpu.memory_space<vmem>>) semaphore(%dma_start3A_754 : memref<!tpu.dma_semaphore, #tpu.memory_space<semaphore_mem>>)
      %mul3A_755 = arith.constant 2 : i32
      %mul3A_756 = arith.muli %add3A_736, %mul3A_755 : i32
      %add3A_757 = arith.constant 1 : i32
      %add3A_758 = arith.addi %mul3A_756, %add3A_757 : i32
      %dma_start3A_759 = arith.constant 3 : i32
      %dma_start3A_760 = arith.constant 3 : i32
      %dma_start3A_761 = arith.constant 128 : i32
      %dma_start3A_762 = arith.constant 0 : i32
      %dma_start3A_763 = tpu.memref_slice %arg6[%dma_start3A_759, %dma_start3A_761, %dma_start3A_762] : memref<4x256x64xf32, #tpu.memory_space<vmem>> -> memref<1x128x64xf32, #tpu.memory_space<vmem>>
      %dma_start3A_764 = tpu.memref_squeeze %dma_start3A_763 : memref<1x128x64xf32, #tpu.memory_space<vmem>> -> memref<128x64xf32, #tpu.memory_space<vmem>>
      %dma_start3A_765 = arith.constant 0 : i32
      %dma_start3A_766 = tpu.memref_slice %arg5[%add3A_758, %dma_start3A_765] : memref<200x128xi32, #tpu.memory_space<vmem>> -> memref<1x128xi32, #tpu.memory_space<vmem>>
      %dma_start3A_767 = tpu.memref_squeeze %dma_start3A_766 : memref<1x128xi32, #tpu.memory_space<vmem>> -> memref<128xi32, #tpu.memory_space<vmem>>
      %dma_start3A_768 = arith.constant 0 : i32
      %dma_start3A_769 = arith.constant 0 : i32
      %dma_start3A_770 = tpu.memref_slice %arg3[%dma_start3A_768, %dma_start3A_769] : memref<1000000x64xf32, #tpu.memory_space<hbm>> -> memref<1000000x64xf32, #tpu.memory_space<hbm>>
      %dma_start3A_771 = tpu.memref_slice %arg7[%dma_start3A_760] : memref<4x!tpu.dma_semaphore, #tpu.memory_space<semaphore_mem>> -> memref<1x!tpu.dma_semaphore, #tpu.memory_space<semaphore_mem>>
      %dma_start3A_772 = tpu.memref_squeeze %dma_start3A_771 : memref<1x!tpu.dma_semaphore, #tpu.memory_space<semaphore_mem>> -> memref<!tpu.dma_semaphore, #tpu.memory_space<semaphore_mem>>
      tpu.enqueue_indirect_dma source(%dma_start3A_770 : memref<1000000x64xf32, #tpu.memory_space<hbm>>) target(%dma_start3A_764 : memref<128x64xf32, #tpu.memory_space<vmem>>) offsets(%dma_start3A_767 : memref<128xi32, #tpu.memory_space<vmem>>) semaphore(%dma_start3A_772 : memref<!tpu.dma_semaphore, #tpu.memory_space<semaphore_mem>>)
      %dma_wait3A_773 = arith.constant 0 : i32
      %dma_wait3A_774 = arith.constant 1 : i32
      %dma_wait3A_775 = arith.constant 1 : i32
      %dma_wait3A_776 = arith.constant 0 : i32
      %dma_wait3A_777 = arith.constant 0 : i32
      %dma_wait3A_778 = tpu.memref_slice %arg6[%dma_wait3A_774, %dma_wait3A_776, %dma_wait3A_777] : memref<4x256x64xf32, #tpu.memory_space<vmem>> -> memref<1x128x64xf32, #tpu.memory_space<vmem>>
      %dma_wait3A_779 = tpu.memref_squeeze %dma_wait3A_778 : memref<1x128x64xf32, #tpu.memory_space<vmem>> -> memref<128x64xf32, #tpu.memory_space<vmem>>
      %dma_wait3A_780 = arith.constant 0 : i32
      %dma_wait3A_781 = tpu.memref_slice %arg5[%dma_wait3A_773, %dma_wait3A_780] : memref<200x128xi32, #tpu.memory_space<vmem>> -> memref<1x128xi32, #tpu.memory_space<vmem>>
      %dma_wait3A_782 = tpu.memref_squeeze %dma_wait3A_781 : memref<1x128xi32, #tpu.memory_space<vmem>> -> memref<128xi32, #tpu.memory_space<vmem>>
      %dma_wait3A_783 = arith.constant 0 : i32
      %dma_wait3A_784 = arith.constant 0 : i32
      %dma_wait3A_785 = tpu.memref_slice %arg3[%dma_wait3A_783, %dma_wait3A_784] : memref<1000000x64xf32, #tpu.memory_space<hbm>> -> memref<1000000x64xf32, #tpu.memory_space<hbm>>
      %dma_wait3A_786 = tpu.memref_slice %arg7[%dma_wait3A_775] : memref<4x!tpu.dma_semaphore, #tpu.memory_space<semaphore_mem>> -> memref<1x!tpu.dma_semaphore, #tpu.memory_space<semaphore_mem>>
      %dma_wait3A_787 = tpu.memref_squeeze %dma_wait3A_786 : memref<1x!tpu.dma_semaphore, #tpu.memory_space<semaphore_mem>> -> memref<!tpu.dma_semaphore, #tpu.memory_space<semaphore_mem>>
      tpu.wait_indirect_dma semaphore(%dma_wait3A_787 : memref<!tpu.dma_semaphore, #tpu.memory_space<semaphore_mem>>) src(%dma_wait3A_785 : memref<1000000x64xf32, #tpu.memory_space<hbm>>) dst(%dma_wait3A_779 : memref<128x64xf32, #tpu.memory_space<vmem>>)
      %dma_wait3A_788 = arith.constant 0 : i32
      %dma_wait3A_789 = arith.constant 1 : i32
      %dma_wait3A_790 = arith.constant 1 : i32
      %dma_wait3A_791 = arith.constant 128 : i32
      %dma_wait3A_792 = arith.constant 0 : i32
      %dma_wait3A_793 = tpu.memref_slice %arg6[%dma_wait3A_789, %dma_wait3A_791, %dma_wait3A_792] : memref<4x256x64xf32, #tpu.memory_space<vmem>> -> memref<1x128x64xf32, #tpu.memory_space<vmem>>
      %dma_wait3A_794 = tpu.memref_squeeze %dma_wait3A_793 : memref<1x128x64xf32, #tpu.memory_space<vmem>> -> memref<128x64xf32, #tpu.memory_space<vmem>>
      %dma_wait3A_795 = arith.constant 0 : i32
      %dma_wait3A_796 = tpu.memref_slice %arg5[%dma_wait3A_788, %dma_wait3A_795] : memref<200x128xi32, #tpu.memory_space<vmem>> -> memref<1x128xi32, #tpu.memory_space<vmem>>
      %dma_wait3A_797 = tpu.memref_squeeze %dma_wait3A_796 : memref<1x128xi32, #tpu.memory_space<vmem>> -> memref<128xi32, #tpu.memory_space<vmem>>
      %dma_wait3A_798 = arith.constant 0 : i32
      %dma_wait3A_799 = arith.constant 0 : i32
      %dma_wait3A_800 = tpu.memref_slice %arg3[%dma_wait3A_798, %dma_wait3A_799] : memref<1000000x64xf32, #tpu.memory_space<hbm>> -> memref<1000000x64xf32, #tpu.memory_space<hbm>>
      %dma_wait3A_801 = tpu.memref_slice %arg7[%dma_wait3A_790] : memref<4x!tpu.dma_semaphore, #tpu.memory_space<semaphore_mem>> -> memref<1x!tpu.dma_semaphore, #tpu.memory_space<semaphore_mem>>
      %dma_wait3A_802 = tpu.memref_squeeze %dma_wait3A_801 : memref<1x!tpu.dma_semaphore, #tpu.memory_space<semaphore_mem>> -> memref<!tpu.dma_semaphore, #tpu.memory_space<semaphore_mem>>
      tpu.wait_indirect_dma semaphore(%dma_wait3A_802 : memref<!tpu.dma_semaphore, #tpu.memory_space<semaphore_mem>>) src(%dma_wait3A_800 : memref<1000000x64xf32, #tpu.memory_space<hbm>>) dst(%dma_wait3A_794 : memref<128x64xf32, #tpu.memory_space<vmem>>)
      %mul3A_803 = arith.constant 256 : i32
      %mul3A_804 = arith.muli %add3A_716, %mul3A_803 : i32
      %add3A_805 = arith.addi %mul3A_2, %mul3A_804 : i32
      %dma_start3A_806 = arith.constant 1 : i32
      %dma_start3A_807 = arith.constant 1 : i32
      %dma_start3A_808 = arith.constant 0 : i32
      %dma_start3A_809 = arith.constant 0 : i32
      %dma_start3A_810 = tpu.memref_slice %arg6[%dma_start3A_806, %dma_start3A_808, %dma_start3A_809] : memref<4x256x64xf32, #tpu.memory_space<vmem>> -> memref<1x256x64xf32, #tpu.memory_space<vmem>>
      %dma_start3A_811 = tpu.memref_squeeze %dma_start3A_810 : memref<1x256x64xf32, #tpu.memory_space<vmem>> -> memref<256x64xf32, #tpu.memory_space<vmem>>
      %dma_start3A_812 = arith.constant 0 : i32
      %dma_start3A_813 = tpu.memref_slice %arg4[%add3A_805, %dma_start3A_812] : memref<819200x64xf32, #tpu.memory_space<hbm>> -> memref<256x64xf32, #tpu.memory_space<hbm>>
      %dma_start3A_814 = tpu.memref_slice %arg8[%dma_start3A_807] : memref<4x!tpu.dma_semaphore, #tpu.memory_space<semaphore_mem>> -> memref<1x!tpu.dma_semaphore, #tpu.memory_space<semaphore_mem>>
      %dma_start3A_815 = tpu.memref_squeeze %dma_start3A_814 : memref<1x!tpu.dma_semaphore, #tpu.memory_space<semaphore_mem>> -> memref<!tpu.dma_semaphore, #tpu.memory_space<semaphore_mem>>
      %dma_start3A_816 = arith.constant 0 : i32
      %dma_start3A_817 = tpu.memref_slice %arg4[%add3A_805, %dma_start3A_816] : memref<819200x64xf32, #tpu.memory_space<hbm>> -> memref<256x64xf32, #tpu.memory_space<hbm>>
      %dma_start3A_818 = arith.constant 0 : i32
      %dma_start3A_819 = arith.constant 0 : i32
      %dma_start3A_820 = tpu.memref_slice %arg6[%dma_start3A_806, %dma_start3A_818, %dma_start3A_819] : memref<4x256x64xf32, #tpu.memory_space<vmem>> -> memref<1x256x64xf32, #tpu.memory_space<vmem>>
      %dma_start3A_821 = tpu.memref_squeeze %dma_start3A_820 : memref<1x256x64xf32, #tpu.memory_space<vmem>> -> memref<256x64xf32, #tpu.memory_space<vmem>>
      tpu.enqueue_dma source(%dma_start3A_821 : memref<256x64xf32, #tpu.memory_space<vmem>>) target(%dma_start3A_817 : memref<256x64xf32, #tpu.memory_space<hbm>>) target_semaphore(%dma_start3A_815 : memref<!tpu.dma_semaphore, #tpu.memory_space<semaphore_mem>>)
    }
    %scan3A_220 = arith.constant 24 : i32
    %dma_wait3A_221 = arith.constant 0 : i32
    %dma_wait3A_222 = arith.constant 2 : i32
    %dma_wait3A_223 = arith.constant 2 : i32
    %dma_wait3A_224 = arith.constant 0 : i32
    %dma_wait3A_225 = arith.constant 0 : i32
    %dma_wait3A_226 = tpu.memref_slice %arg6[%dma_wait3A_222, %dma_wait3A_224, %dma_wait3A_225] : memref<4x256x64xf32, #tpu.memory_space<vmem>> -> memref<1x128x64xf32, #tpu.memory_space<vmem>>
    %dma_wait3A_227 = tpu.memref_squeeze %dma_wait3A_226 : memref<1x128x64xf32, #tpu.memory_space<vmem>> -> memref<128x64xf32, #tpu.memory_space<vmem>>
    %dma_wait3A_228 = arith.constant 0 : i32
    %dma_wait3A_229 = tpu.memref_slice %arg5[%dma_wait3A_221, %dma_wait3A_228] : memref<200x128xi32, #tpu.memory_space<vmem>> -> memref<1x128xi32, #tpu.memory_space<vmem>>
    %dma_wait3A_230 = tpu.memref_squeeze %dma_wait3A_229 : memref<1x128xi32, #tpu.memory_space<vmem>> -> memref<128xi32, #tpu.memory_space<vmem>>
    %dma_wait3A_231 = arith.constant 0 : i32
    %dma_wait3A_232 = arith.constant 0 : i32
    %dma_wait3A_233 = tpu.memref_slice %arg3[%dma_wait3A_231, %dma_wait3A_232] : memref<1000000x64xf32, #tpu.memory_space<hbm>> -> memref<1000000x64xf32, #tpu.memory_space<hbm>>
    %dma_wait3A_234 = tpu.memref_slice %arg7[%dma_wait3A_223] : memref<4x!tpu.dma_semaphore, #tpu.memory_space<semaphore_mem>> -> memref<1x!tpu.dma_semaphore, #tpu.memory_space<semaphore_mem>>
    %dma_wait3A_235 = tpu.memref_squeeze %dma_wait3A_234 : memref<1x!tpu.dma_semaphore, #tpu.memory_space<semaphore_mem>> -> memref<!tpu.dma_semaphore, #tpu.memory_space<semaphore_mem>>
    tpu.wait_indirect_dma semaphore(%dma_wait3A_235 : memref<!tpu.dma_semaphore, #tpu.memory_space<semaphore_mem>>) src(%dma_wait3A_233 : memref<1000000x64xf32, #tpu.memory_space<hbm>>) dst(%dma_wait3A_227 : memref<128x64xf32, #tpu.memory_space<vmem>>)
    %dma_wait3A_236 = arith.constant 0 : i32
    %dma_wait3A_237 = arith.constant 2 : i32
    %dma_wait3A_238 = arith.constant 2 : i32
    %dma_wait3A_239 = arith.constant 128 : i32
    %dma_wait3A_240 = arith.constant 0 : i32
    %dma_wait3A_241 = tpu.memref_slice %arg6[%dma_wait3A_237, %dma_wait3A_239, %dma_wait3A_240] : memref<4x256x64xf32, #tpu.memory_space<vmem>> -> memref<1x128x64xf32, #tpu.memory_space<vmem>>
    %dma_wait3A_242 = tpu.memref_squeeze %dma_wait3A_241 : memref<1x128x64xf32, #tpu.memory_space<vmem>> -> memref<128x64xf32, #tpu.memory_space<vmem>>
    %dma_wait3A_243 = arith.constant 0 : i32
    %dma_wait3A_244 = tpu.memref_slice %arg5[%dma_wait3A_236, %dma_wait3A_243] : memref<200x128xi32, #tpu.memory_space<vmem>> -> memref<1x128xi32, #tpu.memory_space<vmem>>
    %dma_wait3A_245 = tpu.memref_squeeze %dma_wait3A_244 : memref<1x128xi32, #tpu.memory_space<vmem>> -> memref<128xi32, #tpu.memory_space<vmem>>
    %dma_wait3A_246 = arith.constant 0 : i32
    %dma_wait3A_247 = arith.constant 0 : i32
    %dma_wait3A_248 = tpu.memref_slice %arg3[%dma_wait3A_246, %dma_wait3A_247] : memref<1000000x64xf32, #tpu.memory_space<hbm>> -> memref<1000000x64xf32, #tpu.memory_space<hbm>>
    %dma_wait3A_249 = tpu.memref_slice %arg7[%dma_wait3A_238] : memref<4x!tpu.dma_semaphore, #tpu.memory_space<semaphore_mem>> -> memref<1x!tpu.dma_semaphore, #tpu.memory_space<semaphore_mem>>
    %dma_wait3A_250 = tpu.memref_squeeze %dma_wait3A_249 : memref<1x!tpu.dma_semaphore, #tpu.memory_space<semaphore_mem>> -> memref<!tpu.dma_semaphore, #tpu.memory_space<semaphore_mem>>
    tpu.wait_indirect_dma semaphore(%dma_wait3A_250 : memref<!tpu.dma_semaphore, #tpu.memory_space<semaphore_mem>>) src(%dma_wait3A_248 : memref<1000000x64xf32, #tpu.memory_space<hbm>>) dst(%dma_wait3A_242 : memref<128x64xf32, #tpu.memory_space<vmem>>)
    %add3A_251 = arith.constant 25088 : i32
    %add3A_252 = arith.addi %mul3A_2, %add3A_251 : i32
    %dma_start3A_253 = arith.constant 2 : i32
    %dma_start3A_254 = arith.constant 2 : i32
    %dma_start3A_255 = arith.constant 0 : i32
    %dma_start3A_256 = arith.constant 0 : i32
    %dma_start3A_257 = tpu.memref_slice %arg6[%dma_start3A_253, %dma_start3A_255, %dma_start3A_256] : memref<4x256x64xf32, #tpu.memory_space<vmem>> -> memref<1x256x64xf32, #tpu.memory_space<vmem>>
    %dma_start3A_258 = tpu.memref_squeeze %dma_start3A_257 : memref<1x256x64xf32, #tpu.memory_space<vmem>> -> memref<256x64xf32, #tpu.memory_space<vmem>>
    %dma_start3A_259 = arith.constant 0 : i32
    %dma_start3A_260 = tpu.memref_slice %arg4[%add3A_252, %dma_start3A_259] : memref<819200x64xf32, #tpu.memory_space<hbm>> -> memref<256x64xf32, #tpu.memory_space<hbm>>
    %dma_start3A_261 = tpu.memref_slice %arg8[%dma_start3A_254] : memref<4x!tpu.dma_semaphore, #tpu.memory_space<semaphore_mem>> -> memref<1x!tpu.dma_semaphore, #tpu.memory_space<semaphore_mem>>
    %dma_start3A_262 = tpu.memref_squeeze %dma_start3A_261 : memref<1x!tpu.dma_semaphore, #tpu.memory_space<semaphore_mem>> -> memref<!tpu.dma_semaphore, #tpu.memory_space<semaphore_mem>>
    %dma_start3A_263 = arith.constant 0 : i32
    %dma_start3A_264 = tpu.memref_slice %arg4[%add3A_252, %dma_start3A_263] : memref<819200x64xf32, #tpu.memory_space<hbm>> -> memref<256x64xf32, #tpu.memory_space<hbm>>
    %dma_start3A_265 = arith.constant 0 : i32
    %dma_start3A_266 = arith.constant 0 : i32
    %dma_start3A_267 = tpu.memref_slice %arg6[%dma_start3A_253, %dma_start3A_265, %dma_start3A_266] : memref<4x256x64xf32, #tpu.memory_space<vmem>> -> memref<1x256x64xf32, #tpu.memory_space<vmem>>
    %dma_start3A_268 = tpu.memref_squeeze %dma_start3A_267 : memref<1x256x64xf32, #tpu.memory_space<vmem>> -> memref<256x64xf32, #tpu.memory_space<vmem>>
    tpu.enqueue_dma source(%dma_start3A_268 : memref<256x64xf32, #tpu.memory_space<vmem>>) target(%dma_start3A_264 : memref<256x64xf32, #tpu.memory_space<hbm>>) target_semaphore(%dma_start3A_262 : memref<!tpu.dma_semaphore, #tpu.memory_space<semaphore_mem>>)
    %dma_wait3A_269 = arith.constant 0 : i32
    %dma_wait3A_270 = arith.constant 3 : i32
    %dma_wait3A_271 = arith.constant 3 : i32
    %dma_wait3A_272 = arith.constant 0 : i32
    %dma_wait3A_273 = arith.constant 0 : i32
    %dma_wait3A_274 = tpu.memref_slice %arg6[%dma_wait3A_270, %dma_wait3A_272, %dma_wait3A_273] : memref<4x256x64xf32, #tpu.memory_space<vmem>> -> memref<1x128x64xf32, #tpu.memory_space<vmem>>
    %dma_wait3A_275 = tpu.memref_squeeze %dma_wait3A_274 : memref<1x128x64xf32, #tpu.memory_space<vmem>> -> memref<128x64xf32, #tpu.memory_space<vmem>>
    %dma_wait3A_276 = arith.constant 0 : i32
    %dma_wait3A_277 = tpu.memref_slice %arg5[%dma_wait3A_269, %dma_wait3A_276] : memref<200x128xi32, #tpu.memory_space<vmem>> -> memref<1x128xi32, #tpu.memory_space<vmem>>
    %dma_wait3A_278 = tpu.memref_squeeze %dma_wait3A_277 : memref<1x128xi32, #tpu.memory_space<vmem>> -> memref<128xi32, #tpu.memory_space<vmem>>
    %dma_wait3A_279 = arith.constant 0 : i32
    %dma_wait3A_280 = arith.constant 0 : i32
    %dma_wait3A_281 = tpu.memref_slice %arg3[%dma_wait3A_279, %dma_wait3A_280] : memref<1000000x64xf32, #tpu.memory_space<hbm>> -> memref<1000000x64xf32, #tpu.memory_space<hbm>>
    %dma_wait3A_282 = tpu.memref_slice %arg7[%dma_wait3A_271] : memref<4x!tpu.dma_semaphore, #tpu.memory_space<semaphore_mem>> -> memref<1x!tpu.dma_semaphore, #tpu.memory_space<semaphore_mem>>
    %dma_wait3A_283 = tpu.memref_squeeze %dma_wait3A_282 : memref<1x!tpu.dma_semaphore, #tpu.memory_space<semaphore_mem>> -> memref<!tpu.dma_semaphore, #tpu.memory_space<semaphore_mem>>
    tpu.wait_indirect_dma semaphore(%dma_wait3A_283 : memref<!tpu.dma_semaphore, #tpu.memory_space<semaphore_mem>>) src(%dma_wait3A_281 : memref<1000000x64xf32, #tpu.memory_space<hbm>>) dst(%dma_wait3A_275 : memref<128x64xf32, #tpu.memory_space<vmem>>)
    %dma_wait3A_284 = arith.constant 0 : i32
    %dma_wait3A_285 = arith.constant 3 : i32
    %dma_wait3A_286 = arith.constant 3 : i32
    %dma_wait3A_287 = arith.constant 128 : i32
    %dma_wait3A_288 = arith.constant 0 : i32
    %dma_wait3A_289 = tpu.memref_slice %arg6[%dma_wait3A_285, %dma_wait3A_287, %dma_wait3A_288] : memref<4x256x64xf32, #tpu.memory_space<vmem>> -> memref<1x128x64xf32, #tpu.memory_space<vmem>>
    %dma_wait3A_290 = tpu.memref_squeeze %dma_wait3A_289 : memref<1x128x64xf32, #tpu.memory_space<vmem>> -> memref<128x64xf32, #tpu.memory_space<vmem>>
    %dma_wait3A_291 = arith.constant 0 : i32
    %dma_wait3A_292 = tpu.memref_slice %arg5[%dma_wait3A_284, %dma_wait3A_291] : memref<200x128xi32, #tpu.memory_space<vmem>> -> memref<1x128xi32, #tpu.memory_space<vmem>>
    %dma_wait3A_293 = tpu.memref_squeeze %dma_wait3A_292 : memref<1x128xi32, #tpu.memory_space<vmem>> -> memref<128xi32, #tpu.memory_space<vmem>>
    %dma_wait3A_294 = arith.constant 0 : i32
    %dma_wait3A_295 = arith.constant 0 : i32
    %dma_wait3A_296 = tpu.memref_slice %arg3[%dma_wait3A_294, %dma_wait3A_295] : memref<1000000x64xf32, #tpu.memory_space<hbm>> -> memref<1000000x64xf32, #tpu.memory_space<hbm>>
    %dma_wait3A_297 = tpu.memref_slice %arg7[%dma_wait3A_286] : memref<4x!tpu.dma_semaphore, #tpu.memory_space<semaphore_mem>> -> memref<1x!tpu.dma_semaphore, #tpu.memory_space<semaphore_mem>>
    %dma_wait3A_298 = tpu.memref_squeeze %dma_wait3A_297 : memref<1x!tpu.dma_semaphore, #tpu.memory_space<semaphore_mem>> -> memref<!tpu.dma_semaphore, #tpu.memory_space<semaphore_mem>>
    tpu.wait_indirect_dma semaphore(%dma_wait3A_298 : memref<!tpu.dma_semaphore, #tpu.memory_space<semaphore_mem>>) src(%dma_wait3A_296 : memref<1000000x64xf32, #tpu.memory_space<hbm>>) dst(%dma_wait3A_290 : memref<128x64xf32, #tpu.memory_space<vmem>>)
    %add3A_299 = arith.constant 25344 : i32
    %add3A_300 = arith.addi %mul3A_2, %add3A_299 : i32
    %dma_start3A_301 = arith.constant 3 : i32
    %dma_start3A_302 = arith.constant 3 : i32
    %dma_start3A_303 = arith.constant 0 : i32
    %dma_start3A_304 = arith.constant 0 : i32
    %dma_start3A_305 = tpu.memref_slice %arg6[%dma_start3A_301, %dma_start3A_303, %dma_start3A_304] : memref<4x256x64xf32, #tpu.memory_space<vmem>> -> memref<1x256x64xf32, #tpu.memory_space<vmem>>
    %dma_start3A_306 = tpu.memref_squeeze %dma_start3A_305 : memref<1x256x64xf32, #tpu.memory_space<vmem>> -> memref<256x64xf32, #tpu.memory_space<vmem>>
    %dma_start3A_307 = arith.constant 0 : i32
    %dma_start3A_308 = tpu.memref_slice %arg4[%add3A_300, %dma_start3A_307] : memref<819200x64xf32, #tpu.memory_space<hbm>> -> memref<256x64xf32, #tpu.memory_space<hbm>>
    %dma_start3A_309 = tpu.memref_slice %arg8[%dma_start3A_302] : memref<4x!tpu.dma_semaphore, #tpu.memory_space<semaphore_mem>> -> memref<1x!tpu.dma_semaphore, #tpu.memory_space<semaphore_mem>>
    %dma_start3A_310 = tpu.memref_squeeze %dma_start3A_309 : memref<1x!tpu.dma_semaphore, #tpu.memory_space<semaphore_mem>> -> memref<!tpu.dma_semaphore, #tpu.memory_space<semaphore_mem>>
    %dma_start3A_311 = arith.constant 0 : i32
    %dma_start3A_312 = tpu.memref_slice %arg4[%add3A_300, %dma_start3A_311] : memref<819200x64xf32, #tpu.memory_space<hbm>> -> memref<256x64xf32, #tpu.memory_space<hbm>>
    %dma_start3A_313 = arith.constant 0 : i32
    %dma_start3A_314 = arith.constant 0 : i32
    %dma_start3A_315 = tpu.memref_slice %arg6[%dma_start3A_301, %dma_start3A_313, %dma_start3A_314] : memref<4x256x64xf32, #tpu.memory_space<vmem>> -> memref<1x256x64xf32, #tpu.memory_space<vmem>>
    %dma_start3A_316 = tpu.memref_squeeze %dma_start3A_315 : memref<1x256x64xf32, #tpu.memory_space<vmem>> -> memref<256x64xf32, #tpu.memory_space<vmem>>
    tpu.enqueue_dma source(%dma_start3A_316 : memref<256x64xf32, #tpu.memory_space<vmem>>) target(%dma_start3A_312 : memref<256x64xf32, #tpu.memory_space<hbm>>) target_semaphore(%dma_start3A_310 : memref<!tpu.dma_semaphore, #tpu.memory_space<semaphore_mem>>)
    %dma_wait3A_317 = arith.constant 0 : i32
    %dma_wait3A_318 = arith.constant 0 : i32
    %dma_wait3A_319 = arith.constant 0 : i32
    %dma_wait3A_320 = arith.constant 0 : i32
    %dma_wait3A_321 = tpu.memref_slice %arg6[%dma_wait3A_317, %dma_wait3A_319, %dma_wait3A_320] : memref<4x256x64xf32, #tpu.memory_space<vmem>> -> memref<1x256x64xf32, #tpu.memory_space<vmem>>
    %dma_wait3A_322 = tpu.memref_squeeze %dma_wait3A_321 : memref<1x256x64xf32, #tpu.memory_space<vmem>> -> memref<256x64xf32, #tpu.memory_space<vmem>>
    %dma_wait3A_323 = arith.constant 0 : i32
    %dma_wait3A_324 = arith.constant 0 : i32
    %dma_wait3A_325 = tpu.memref_slice %arg4[%dma_wait3A_323, %dma_wait3A_324] : memref<819200x64xf32, #tpu.memory_space<hbm>> -> memref<256x64xf32, #tpu.memory_space<hbm>>
    %dma_wait3A_326 = tpu.memref_slice %arg8[%dma_wait3A_318] : memref<4x!tpu.dma_semaphore, #tpu.memory_space<semaphore_mem>> -> memref<1x!tpu.dma_semaphore, #tpu.memory_space<semaphore_mem>>
    %dma_wait3A_327 = tpu.memref_squeeze %dma_wait3A_326 : memref<1x!tpu.dma_semaphore, #tpu.memory_space<semaphore_mem>> -> memref<!tpu.dma_semaphore, #tpu.memory_space<semaphore_mem>>
    %dma_wait3A_328 = arith.constant 0 : i32
    %dma_wait3A_329 = arith.constant 0 : i32
    %dma_wait3A_330 = tpu.memref_slice %arg4[%dma_wait3A_328, %dma_wait3A_329] : memref<819200x64xf32, #tpu.memory_space<hbm>> -> memref<256x64xf32, #tpu.memory_space<hbm>>
    %dma_wait3A_331 = arith.constant 0 : i32
    %dma_wait3A_332 = arith.constant 0 : i32
    %dma_wait3A_333 = tpu.memref_slice %arg6[%dma_wait3A_317, %dma_wait3A_331, %dma_wait3A_332] : memref<4x256x64xf32, #tpu.memory_space<vmem>> -> memref<1x256x64xf32, #tpu.memory_space<vmem>>
    %dma_wait3A_334 = tpu.memref_squeeze %dma_wait3A_333 : memref<1x256x64xf32, #tpu.memory_space<vmem>> -> memref<256x64xf32, #tpu.memory_space<vmem>>
    tpu.wait_dma2 semaphore(%dma_wait3A_327 : memref<!tpu.dma_semaphore, #tpu.memory_space<semaphore_mem>>) src(%dma_wait3A_334 : memref<256x64xf32, #tpu.memory_space<vmem>>) dst(%dma_wait3A_330 : memref<256x64xf32, #tpu.memory_space<hbm>>)
    %dma_wait3A_335 = arith.constant 1 : i32
    %dma_wait3A_336 = arith.constant 1 : i32
    %dma_wait3A_337 = arith.constant 0 : i32
    %dma_wait3A_338 = arith.constant 0 : i32
    %dma_wait3A_339 = tpu.memref_slice %arg6[%dma_wait3A_335, %dma_wait3A_337, %dma_wait3A_338] : memref<4x256x64xf32, #tpu.memory_space<vmem>> -> memref<1x256x64xf32, #tpu.memory_space<vmem>>
    %dma_wait3A_340 = tpu.memref_squeeze %dma_wait3A_339 : memref<1x256x64xf32, #tpu.memory_space<vmem>> -> memref<256x64xf32, #tpu.memory_space<vmem>>
    %dma_wait3A_341 = arith.constant 0 : i32
    %dma_wait3A_342 = arith.constant 0 : i32
    %dma_wait3A_343 = tpu.memref_slice %arg4[%dma_wait3A_341, %dma_wait3A_342] : memref<819200x64xf32, #tpu.memory_space<hbm>> -> memref<256x64xf32, #tpu.memory_space<hbm>>
    %dma_wait3A_344 = tpu.memref_slice %arg8[%dma_wait3A_336] : memref<4x!tpu.dma_semaphore, #tpu.memory_space<semaphore_mem>> -> memref<1x!tpu.dma_semaphore, #tpu.memory_space<semaphore_mem>>
    %dma_wait3A_345 = tpu.memref_squeeze %dma_wait3A_344 : memref<1x!tpu.dma_semaphore, #tpu.memory_space<semaphore_mem>> -> memref<!tpu.dma_semaphore, #tpu.memory_space<semaphore_mem>>
    %dma_wait3A_346 = arith.constant 0 : i32
    %dma_wait3A_347 = arith.constant 0 : i32
    %dma_wait3A_348 = tpu.memref_slice %arg4[%dma_wait3A_346, %dma_wait3A_347] : memref<819200x64xf32, #tpu.memory_space<hbm>> -> memref<256x64xf32, #tpu.memory_space<hbm>>
    %dma_wait3A_349 = arith.constant 0 : i32
    %dma_wait3A_350 = arith.constant 0 : i32
    %dma_wait3A_351 = tpu.memref_slice %arg6[%dma_wait3A_335, %dma_wait3A_349, %dma_wait3A_350] : memref<4x256x64xf32, #tpu.memory_space<vmem>> -> memref<1x256x64xf32, #tpu.memory_space<vmem>>
    %dma_wait3A_352 = tpu.memref_squeeze %dma_wait3A_351 : memref<1x256x64xf32, #tpu.memory_space<vmem>> -> memref<256x64xf32, #tpu.memory_space<vmem>>
    tpu.wait_dma2 semaphore(%dma_wait3A_345 : memref<!tpu.dma_semaphore, #tpu.memory_space<semaphore_mem>>) src(%dma_wait3A_352 : memref<256x64xf32, #tpu.memory_space<vmem>>) dst(%dma_wait3A_348 : memref<256x64xf32, #tpu.memory_space<hbm>>)
    %dma_wait3A_353 = arith.constant 2 : i32
    %dma_wait3A_354 = arith.constant 2 : i32
    %dma_wait3A_355 = arith.constant 0 : i32
    %dma_wait3A_356 = arith.constant 0 : i32
    %dma_wait3A_357 = tpu.memref_slice %arg6[%dma_wait3A_353, %dma_wait3A_355, %dma_wait3A_356] : memref<4x256x64xf32, #tpu.memory_space<vmem>> -> memref<1x256x64xf32, #tpu.memory_space<vmem>>
    %dma_wait3A_358 = tpu.memref_squeeze %dma_wait3A_357 : memref<1x256x64xf32, #tpu.memory_space<vmem>> -> memref<256x64xf32, #tpu.memory_space<vmem>>
    %dma_wait3A_359 = arith.constant 0 : i32
    %dma_wait3A_360 = arith.constant 0 : i32
    %dma_wait3A_361 = tpu.memref_slice %arg4[%dma_wait3A_359, %dma_wait3A_360] : memref<819200x64xf32, #tpu.memory_space<hbm>> -> memref<256x64xf32, #tpu.memory_space<hbm>>
    %dma_wait3A_362 = tpu.memref_slice %arg8[%dma_wait3A_354] : memref<4x!tpu.dma_semaphore, #tpu.memory_space<semaphore_mem>> -> memref<1x!tpu.dma_semaphore, #tpu.memory_space<semaphore_mem>>
    %dma_wait3A_363 = tpu.memref_squeeze %dma_wait3A_362 : memref<1x!tpu.dma_semaphore, #tpu.memory_space<semaphore_mem>> -> memref<!tpu.dma_semaphore, #tpu.memory_space<semaphore_mem>>
    %dma_wait3A_364 = arith.constant 0 : i32
    %dma_wait3A_365 = arith.constant 0 : i32
    %dma_wait3A_366 = tpu.memref_slice %arg4[%dma_wait3A_364, %dma_wait3A_365] : memref<819200x64xf32, #tpu.memory_space<hbm>> -> memref<256x64xf32, #tpu.memory_space<hbm>>
    %dma_wait3A_367 = arith.constant 0 : i32
    %dma_wait3A_368 = arith.constant 0 : i32
    %dma_wait3A_369 = tpu.memref_slice %arg6[%dma_wait3A_353, %dma_wait3A_367, %dma_wait3A_368] : memref<4x256x64xf32, #tpu.memory_space<vmem>> -> memref<1x256x64xf32, #tpu.memory_space<vmem>>
    %dma_wait3A_370 = tpu.memref_squeeze %dma_wait3A_369 : memref<1x256x64xf32, #tpu.memory_space<vmem>> -> memref<256x64xf32, #tpu.memory_space<vmem>>
    tpu.wait_dma2 semaphore(%dma_wait3A_363 : memref<!tpu.dma_semaphore, #tpu.memory_space<semaphore_mem>>) src(%dma_wait3A_370 : memref<256x64xf32, #tpu.memory_space<vmem>>) dst(%dma_wait3A_366 : memref<256x64xf32, #tpu.memory_space<hbm>>)
    %dma_wait3A_371 = arith.constant 3 : i32
    %dma_wait3A_372 = arith.constant 3 : i32
    %dma_wait3A_373 = arith.constant 0 : i32
    %dma_wait3A_374 = arith.constant 0 : i32
    %dma_wait3A_375 = tpu.memref_slice %arg6[%dma_wait3A_371, %dma_wait3A_373, %dma_wait3A_374] : memref<4x256x64xf32, #tpu.memory_space<vmem>> -> memref<1x256x64xf32, #tpu.memory_space<vmem>>
    %dma_wait3A_376 = tpu.memref_squeeze %dma_wait3A_375 : memref<1x256x64xf32, #tpu.memory_space<vmem>> -> memref<256x64xf32, #tpu.memory_space<vmem>>
    %dma_wait3A_377 = arith.constant 0 : i32
    %dma_wait3A_378 = arith.constant 0 : i32
    %dma_wait3A_379 = tpu.memref_slice %arg4[%dma_wait3A_377, %dma_wait3A_378] : memref<819200x64xf32, #tpu.memory_space<hbm>> -> memref<256x64xf32, #tpu.memory_space<hbm>>
    %dma_wait3A_380 = tpu.memref_slice %arg8[%dma_wait3A_372] : memref<4x!tpu.dma_semaphore, #tpu.memory_space<semaphore_mem>> -> memref<1x!tpu.dma_semaphore, #tpu.memory_space<semaphore_mem>>
    %dma_wait3A_381 = tpu.memref_squeeze %dma_wait3A_380 : memref<1x!tpu.dma_semaphore, #tpu.memory_space<semaphore_mem>> -> memref<!tpu.dma_semaphore, #tpu.memory_space<semaphore_mem>>
    %dma_wait3A_382 = arith.constant 0 : i32
    %dma_wait3A_383 = arith.constant 0 : i32
    %dma_wait3A_384 = tpu.memref_slice %arg4[%dma_wait3A_382, %dma_wait3A_383] : memref<819200x64xf32, #tpu.memory_space<hbm>> -> memref<256x64xf32, #tpu.memory_space<hbm>>
    %dma_wait3A_385 = arith.constant 0 : i32
    %dma_wait3A_386 = arith.constant 0 : i32
    %dma_wait3A_387 = tpu.memref_slice %arg6[%dma_wait3A_371, %dma_wait3A_385, %dma_wait3A_386] : memref<4x256x64xf32, #tpu.memory_space<vmem>> -> memref<1x256x64xf32, #tpu.memory_space<vmem>>
    %dma_wait3A_388 = tpu.memref_squeeze %dma_wait3A_387 : memref<1x256x64xf32, #tpu.memory_space<vmem>> -> memref<256x64xf32, #tpu.memory_space<vmem>>
    tpu.wait_dma2 semaphore(%dma_wait3A_381 : memref<!tpu.dma_semaphore, #tpu.memory_space<semaphore_mem>>) src(%dma_wait3A_388 : memref<256x64xf32, #tpu.memory_space<vmem>>) dst(%dma_wait3A_384 : memref<256x64xf32, #tpu.memory_space<hbm>>)
    return
  }
}

</mosaic_0001>

<sc_bundles>
// kernel: kernel.3.cloned.1.call-start
scs
__scs_entry_jumppad:
0x0: {  	(pc) =	sbr.rel $0x88, $3  }
0x1: {  	(tag) =	ssettag $0x0;
	lr =	simm.s32 $0x1  }
0x2: {  	[smem:$0x3F9F] =	sst lr;
	_ =	strace $0xD0000000  }
0x3: {  	_ = 	snop  }
0x4: {  	_ = 	snop  }
0x5: {  	_ = 	snop  }
0x6: {  	_ = 	snop  }
0x7: {  	_ = 	snop  }
__scs_overlays_trampoline_lowered:
0x8: {  	[smem:$0x3FAE] =	sst s0  }
0x9: {  	[smem:$0x3FAF] =	sst s1  }
0xa: {  	[smem:$0x3FB0] =	sst s2  }
0xb: {  	[smem:$0x3FB1] =	sst s3  }
0xc: {  	[smem:$0x3FB2] =	sst s4  }
0xd: {  	[smem:$0x3FB3] =	sst s5  }
0xe: {  	[smem:$0x3FB4] =	sst s6  }
0xf: {  	[smem:$0x3FB5] =	sst s7  }
0x10: {  	[smem:$0x3FB6] =	sst s8  }
0x11: {  	[smem:$0x3FB7] =	sst s9;
	s0 =	simm.s32 @!p0 $0x0  }
0x12: {  	s1 =	sld [smem:$0x3F9D];
	s0 =	simm.s32 @p0 $0x1  }
0x13: {  	[smem:$0x3FB8] =	sst s0;
	s0 =	simm.s32 @!p1 $0x0  }
0x14: {  	s2 =	sld [smem:$0x3F9C];
	s0 =	simm.s32 @p1 $0x1  }
0x15: {  	[smem:$0x3FB9] =	sst s0;
	s0 =	simm.s32 @!p2 $0x0  }
0x16: {  	s3 =	sld [smem:$0x3FDB];
	s0 =	simm.s32 @p2 $0x1  }
0x17: {  	s4 =	simm.s32 $0x1BF5;
	[smem:$0x3FBB] =	sst s0  }
0x18: {  	s0 =	sld [smem:$0x3F9E];
	_ =	swait.ge [sflag:s4], $0x0  }
0x19: {  	s7 =	sld [smem:$0x3F9F]  }
0x1a: {  	s8 =	sadd.s32 $0xFFFFE003, lr  }
0x1b: {  	s9 =	sadd.s32 $0xFFFFFEF7, lr;
	s5 =	simm.s32 $0xFFFFFFFF;
	p2 =	slt.u32 s8, $0xFFFFF086  }
0x1c: {  	p1 =	slt.u32 s9, $0xF7A;
	s5 =	simm.s32 @!p2 $0x0  }
0x1d: {  	s5 =	simm.s32 @p1 $0x1;
	p0 =	seq.s32 s7, s2  }
0x1e: {  	s7 =	smul.u32 @!p0 $0xF7A, s2;
	p2 =	seq.s32 @!p0 s5, $0x0  }
0x1f: {  	s9 =	smul.u32 $0xF7A, s1;
	s8 =	simm.s32 @!p0 $0x1BF5;
	p2 =	por !p2, p0  }
0x20: {  	[sflag:s8] =	ssyncset.s32 @!p0 $0xFFFFF086;
	s6 =	sadd.s32 @!p0 s3, s7;
	s7 =	simm.s32 @!p0 $0x108  }
0x21: {  	s3 =	sadd.s32 s3, s9;
	s6 =	sadd.s32 @!p0 $0x88, s6;
	s7 =	simm.s32 @p2 $0x1082  }
0x22: {  	[simem:s7], [sflag:s8] =	dma.local @!p0 [hbm:s6], $0xF7A  }
0x23: {  	s9 =	sor.u32 $0xD0000000, s2;
	s6 =	simm.s32 $0x108;
	_ =	swait.ge @!p0 [sflag:s8], $0x0  }
0x24: {  	s3 =	sadd.s32 $0x88, s3;
	s6 =	simm.s32 @!p1 $0x1082;
	[sflag:s4] =	ssyncset.s32 $0xFFFFF086  }
0x25: {  	[simem:s6], [sflag:s4] =	dma.local [hbm:s3], $0xF7A  }
0x26: {  	[smem:$0x3F9F] =	sst s1;
	(tag) =	ssettag s2;
	_ =	strace s9  }
0x27: {  	s1 =	sld [smem:$0x3FAF]  }
0x28: {  	s2 =	sld [smem:$0x3FB0]  }
0x29: {  	s4 =	sld [smem:$0x3FB2]  }
0x2a: {  	p0 =	seq.s32 s5, $0x0;
	s5 =	sld [smem:$0x3FB3]  }
0x2b: {  	s6 =	sld [smem:$0x3FB4]  }
0x2c: {  	s7 =	sld [smem:$0x3FB5]  }
0x2d: {  	s3 =	simm.s32 $0x108;
	s8 =	sld [smem:$0x3FB6]  }
0x2e: {  	s3 =	simm.s32 @!p0 $0x1082;
	s9 =	sld [smem:$0x3FB7]  }
0x2f: {  	lr =	sadd.s32 s0, s3;
	s0 =	sld [smem:$0x3FAE]  }
0x30: {  	s3 =	sld [smem:$0x3FB1]  }
0x31: {  	[smem:$0x3FBA] =	sst s10  }
0x32: {  	s10 =	sld [smem:$0x3FB8];
	_ =	sdelay $0x3  }
0x33: {  	p0 =	seq.s32 s10, $0x1;
	s10 =	sld [smem:$0x3FBA];
	_ =	sdelay $0x3  }
0x34: {  	[smem:$0x3FBA] =	sst s10  }
0x35: {  	s10 =	sld [smem:$0x3FB9];
	_ =	sdelay $0x3  }
0x36: {  	p1 =	seq.s32 s10, $0x1;
	s10 =	sld [smem:$0x3FBA];
	_ =	sdelay $0x3  }
0x37: {  	[smem:$0x3FBA] =	sst s10  }
0x38: {  	s10 =	sld [smem:$0x3FBB]  }
0x39: {  	_ = 	snop;
	(pc) =	sbr.ind lr, $3  }
0x3a: {  	_ = 	snop  }
0x3b: {  	_ = 	snop  }
0x3c: {  	p2 =	seq.s32 s10, $0x1;
	s10 =	sld [smem:$0x3FBA]  }
0x3d: {  	_ =	shalt  }
0x3e: {  	_ =	shalt  }
0x3f: {  	_ =	shalt  }
0x40: {  	_ =	shalt  }
0x41: {  	_ =	shalt  }
0x42: {  	_ =	shalt  }
0x43: {  	_ =	shalt  }
0x44: {  	_ =	shalt  }
0x45: {  	_ =	shalt  }
0x46: {  	_ =	shalt  }
0x47: {  	_ =	shalt  }
0x48: {  	_ =	shalt  }
0x49: {  	_ =	shalt  }
0x4a: {  	_ =	shalt  }
0x4b: {  	_ =	shalt  }
0x4c: {  	_ =	shalt  }
0x4d: {  	_ =	shalt  }
0x4e: {  	_ =	shalt  }
0x4f: {  	_ =	shalt  }
0x50: {  	_ =	shalt  }
0x51: {  	_ =	shalt  }
0x52: {  	_ =	shalt  }
0x53: {  	_ =	shalt  }
0x54: {  	_ =	shalt  }
0x55: {  	_ =	shalt  }
0x56: {  	_ =	shalt  }
0x57: {  	_ =	shalt  }
0x58: {  	_ =	shalt  }
0x59: {  	_ =	shalt  }
0x5a: {  	_ =	shalt  }
0x5b: {  	_ =	shalt  }
0x5c: {  	_ =	shalt  }
0x5d: {  	_ =	shalt  }
0x5e: {  	_ =	shalt  }
0x5f: {  	_ =	shalt  }
0x60: {  	_ =	shalt  }
0x61: {  	_ =	shalt  }
0x62: {  	_ =	shalt  }
0x63: {  	_ =	shalt  }
0x64: {  	_ =	shalt  }
0x65: {  	_ =	shalt  }
0x66: {  	_ =	shalt  }
0x67: {  	_ =	shalt  }
0x68: {  	_ =	shalt  }
0x69: {  	_ =	shalt  }
0x6a: {  	_ =	shalt  }
0x6b: {  	_ =	shalt  }
0x6c: {  	_ =	shalt  }
0x6d: {  	_ =	shalt  }
0x6e: {  	_ =	shalt  }
0x6f: {  	_ =	shalt  }
0x70: {  	_ =	shalt  }
0x71: {  	_ =	shalt  }
0x72: {  	_ =	shalt  }
0x73: {  	_ =	shalt  }
0x74: {  	_ =	shalt  }
0x75: {  	_ =	shalt  }
0x76: {  	_ =	shalt  }
0x77: {  	_ =	shalt  }
0x78: {  	_ =	shalt  }
0x79: {  	_ =	shalt  }
0x7a: {  	_ =	shalt  }
0x7b: {  	_ =	shalt  }
0x7c: {  	_ =	shalt  }
0x7d: {  	_ =	shalt  }
0x7e: {  	_ =	shalt  }
0x7f: {  	_ =	shalt  }
0x80: {  	_ =	shalt  }
0x81: {  	_ =	shalt  }
0x82: {  	_ =	shalt  }
0x83: {  	_ =	shalt  }
0x84: {  	_ =	shalt  }
0x85: {  	_ =	shalt  }
0x86: {  	_ =	shalt  }
0x87: {  	_ =	shalt  }
.Lfunc_end0:
.L_simem_size_0:
called_computation.1_lowered:
.L_overlay_start_0:
0x88: {  	s2 =	sld [smem:$0x3FD9]  }
0x89: {  	s3 =	sld [smem:$0x3FFE];
	_ =	sdelay $0x1  }
0x8a: {  	s1 =	srdreg.scid  }
0x8b: {  	s0 =	sand.u32 $0x1, s1  }
0x8c: {  	s17 =	sshll.u32 s0, $0xA;
	s2 =	sadd.s32 s3, s2  }
0x8d: {  	s2 =	sadd.s32 s2, s17  }
0x8e: {  	[smem:$0x3FC6] =	sst s2  }
0x8f: {  	_ = 	snop  }
0x90: {  	s2 =	sld [smem:$0x3FD0];
	(tm) =	ssettm $0x1  }
0x91: {  	s18 =	sld [smem:$0x3FFB];
	_ =	sdelay $0x3  }
0x92: {  	_ =	strace s18  }
0x93: {  	s3 =	sld [smem:$0x3FFC];
	_ =	sdelay $0x3  }
0x94: {  	_ =	strace s3  }
0x95: {  	s3 =	sld [smem:$0x3FFD];
	_ =	sdelay $0x3  }
0x96: {  	_ =	strace s3  }
0x97: {  	_ =	strace $0x8FFFFFFF  }
0x98: {  	s19 =	sld [smem:$0x3FDB];
	_ =	sdelay $0x1  }
0x99: {  	s4 =	simm.s32 $_scs_section_size  }
0x9a: {  	s5 =	simm.s32 $_size__tile_overlayer_lowered;
	s6 =	simm.s32 $_tile_overlayer_lowered  }
0x9b: {  	s22 =	simm.s32 $0x1BFF;
	s21 =	sshll.u32 s6, $0x1;
	s3 =	sadd.s32 s4, s19  }
0x9c: {  	s7 =	simm.s32 $0x0;
	s20 =	sshll.u32 s5, $0x1;
	s5 =	sadd.s32 s21, s3  }
0x9d: {  	[timem:s7], [sflag:s22] =	dma.local [hbm:s5], s20  }
0x9e: {  	_ =	swait.ge [sflag:s22], s20  }
0x9f: {  	s4 =	ssub.s32 $0x0, s20;
	[sflag:s22] =	ssyncset.done $0x0  }
0xa0: {  	[sflag:s22] =	ssyncadd.s32 s4;
	_ =	sdelay $0x1  }
0xa1: {  	s23 =	simm.s32 $0x1B8B  }
0xa2: {  	_ =	swait.ge [sflag:s23], $0x1  }
0xa3: {  	[sflag:s23] =	ssyncset.done $0x0  }
0xa4: {  	s25 =	simm.s32 $0x1B8E;
	s24 =	sld [smem:$0x3FFE];
	[sflag:s23] =	ssyncadd.s32 $0xFFFFFFFF  }
0xa5: {  	s26 =	simm.s32 $execute0_lowered;
	[smem:$0x3FD2] =	sst s25  }
0xa6: {  	s5 =	sshll.u32 s26, $0x1;
	_ =	strace $0x80000046;
	[dreg:$0x1] =	wrdreg $0xFFFFFFFF  }
0xa7: {  	s28 =	simm.s32 $_size_execute0_lowered;
	s3 =	sadd.s32 s3, s5;
	[dreg:$0x0] =	wrdreg $0x0  }
0xa8: {  	s5 =	sshll.u32 s28, $0x1;
	[dreg:$0x2] =	wrdreg s3  }
0xa9: {  	[dreg:$0x3] =	wrdreg s5  }
0xaa: {  	[dreg:$0x4] =	wrdreg $0xC0  }
0xab: {  	_ =	task [dreg:s7], $0x5FFFF  }
0xac: {  	[dreg:$0x1] =	wrdreg $0xFFFFFFFF  }
0xad: {  	[dreg:$0x0] =	wrdreg $0x60  }
0xae: {  	[dreg:$0x2] =	wrdreg s24  }
0xaf: {  	[dreg:$0x3] =	wrdreg s2  }
0xb0: {  	[dreg:$0x4] =	wrdreg $0x9  }
0xb1: {  	_ =	task.clear_ibuf [dreg:s7], $0x5FFFF;
	_ =	strace $0x90000046  }
0xb2: {  	s29 =	simm.s32 $0x9;
	_ =	strace $0x80000048  }
0xb3: {  	_ =	swait.ge [sflag:s29], $0x1  }
0xb4: {  	[sflag:s29] =	ssyncadd.s32 $0xFFFFFFFF  }
0xb5: {  	_ =	strace $0x90000048  }
0xb6: {  	_ =	sfence  }
0xb7: {  	s30 =	sld [smem:$0x0];
	_ =	sdelay $0x2  }
0xb8: {  	s31 =	sshll.u32 s1, $0xD;
	s1 =	sshrl.u32 s1, $0x2  }
0xb9: {  	s3 =	sand.u32 $0x4000, s31;
	s1 =	sadd.s32 s1, s30  }
0xba: {  	s0 =	sor.u32 s3, s0;
	s1 =	sshll.u32 s1, $0x11  }
0xbb: {  	s0 =	sor.u32 s1, s0  }
0xbc: {  	s0 =	sadd.s32 $0x8F2B, s0  }
0xbd: {  	[sflag:s0] =	ssyncadd.remote.s32 $0x1  }
0xbe: {  	_ =	sfence.sel $0xFFFF  }
0xbf: {  	[dreg:$0x0] =	wrdreg $0xFFFFFFFF;
	(pc) =	sbr.abs _section_cstart, $3  }
0xc0: {  	[dreg:$0x1] =	wrdreg $0xFFFFFFFF  }
0xc1: {  	_ =	task.clear_ibuf [dreg:s7], $0x2FFFF;
	_ =	strace $0x9FFFFFFF  }
0xc2: {  	(tm) =	ssettm $0x7FFFFFFF  }
0xc3: {  	_ =	shalt  }
tec
execute0_lowered:
.L_overlay_start_1:
0x0: {  	(tag) =	ssettag $0x1  }
0x1: {  	s0 =	rddreg [dreg:$0x0];
	s1 =	srdreg.scid  }
0x2: {  	s11 =	stileid.u32;
	s2 =	rddreg [dreg:$0x1]  }
0x3: {  	s3 =	simm.s32 $0x0;
	s28 =	simm.s32 $0x1;
	s10 =	smul.u32 $0xC800, s11  }
0x4: {  	s30 =	simm.s32 $0x12400;
	s1 =	sand.u32 $0x1, s1;
	s19 =	smul.u32 $0x320000, s11  }
0x5: {  	s29 =	simm.s32 $0x7;
	s4 =	sshll.u32 s11, $0x1;
	s17 =	smul.u32 $0x6400, s1  }
0x6: {  	s4 =	sor.u32 s1, s4;
	s7 =	ssub.s32 $0x2, s1;
	s1 =	smul.u32 $0x190000, s1  }
0x7: {  	s31 =	simm.s32 $0x8;
	[smem:$0x7FF] =	sst s3;
	s5 =	smul.u32 $0x6400, s4  }
0x8: {  	_ =	strace $0x80000047;
	s6 =	smul.u32 $0x32000, s4;
	s9 =	sshrl.u32 s7, $0x1  }
0x9: {  	s8 =	smul.u32 $0x190000, s4;
	s4 =	sadd.s32 $0xF42E00, s0;
	s16 =	ssub.s32 s7, s9  }
0xa: {  	s21 =	sadd.s32 s17, s10;
	s1 =	sadd.s32 s1, s19;
	s17 =	simm.s32 $0x6400  }
0xb: {  	s19 =	simm.s32 $0x5;
	s5 =	sshrl.u32 s5, $0x3;
	s18 =	sshrl.u32 s8, $0x3  }
0xc: {  	s6 =	sadd.s32 s2, s6;
	s22 =	sshll.u32 s21, $0x3;
	s24 =	sadd.s32 $0x14000, s1  }
0xd: {  	s13 =	sadd.s32 $0x10000, s1;
	s1 =	simm.s32 $0x14400;
	s21 =	simm.s32 $0x3  }
0xe: {  	s5 =	sadd.s32 s5, s0;
	[dreg:$0x4] =	wrdreg s6;
	s6 =	sadd.s32 $0x800, s6  }
0xf: {  	s0 =	smax.u32 s16, $0x1;
	s23 =	sadd.s32 s22, s2;
	s26 =	sshrl.u32 s24, $0x3  }
0x10: {  	s16 =	simm.s32 $0x80;
	s22 =	simm.s32 $0xC400;
	[dreg:$0x5] =	wrdreg s6  }
0x11: {  	s24 =	simm.s32 $0xE400;
	s5 =	sadd.s32 $0xA00, s5;
	[dreg:$0x8] =	wrdreg s0  }
0x12: {  	s25 =	sadd.s32 $0x1800, s23;
	s0 =	sadd.s32 $0x1000, s23;
	[dreg:$0x3] =	wrdreg s5  }
0x13: {  	s15 =	sadd.s32 s26, s2;
	s26 =	simm.s32 $0x10400;
	[dreg:$0x9] =	wrdreg s25  }
0x14: {  	s23 =	simm.s32 $0x6;
	s5 =	sadd.s32 s2, s18;
	[dreg:$0xa] =	wrdreg s0  }
0x15: {  	s18 =	simm.s32 $0x8400;
	s0 =	simm.s32 $0x2;
	s20 =	sadd.s32 $0x31000, s5  }
0x16: {  	s25 =	simm.s32 $0x4;
	s5 =	sadd.s32 $0x31800, s5;
	[dreg:$0x6] =	wrdreg s20  }
0x17: {  	[dreg:$0x7] =	wrdreg s5;
	s20 =	simm.s32 $0xA400;
	s5 =	simm.s32 $0x0  }
.LBB2_1:
0x18: {  	s6 =	rddreg [dreg:$0x3];
	s8 =	simm.s32 $0x9  }
0x19: {  	[tilespmem:s3], [sflag:$0x9] =	stream.linear.gather [hbm4b:s6+s3], $0x6400, $0x38;
	[tilespmem:$0x16400] =	vst v63  }
0x1a: {  	_ =	swait.ge [sflag:s8], $0x6400  }
0x1b: {  	[sflag:s8] =	ssyncset.done $0x0  }
0x1c: {  	[sflag:s8] =	ssyncadd.s32 $0xFFFF9C00  }
0x1d: {  	[tilespmem:s17], [sflag:$0x1] =	stream.indirect.gather [hbm4b:s4+s16], $0x40, s3, s16, $0xb8;
	[tilespmem:$0x16400] =	vst v63  }
0x1e: {  	_ = 	snop  }
0x1f: {  	[tilespmem:s18], [sflag:$0x1] =	stream.indirect.gather [hbm4b:s4+s16], $0x40, s16, s16, $0xb8;
	[tilespmem:$0x16400] =	vst v63  }
0x20: {  	s9 =	simm.s32 $0x100  }
0x21: {  	[tilespmem:s20], [sflag:$0x2] =	stream.indirect.gather [hbm4b:s4+s16], $0x40, s9, s16, $0xb8;
	[tilespmem:$0x16400] =	vst v63  }
0x22: {  	s10 =	simm.s32 $0x180  }
0x23: {  	[tilespmem:s22], [sflag:$0x2] =	stream.indirect.gather [hbm4b:s4+s16], $0x40, s10, s16, $0xb8;
	[tilespmem:$0x16400] =	vst v63  }
0x24: {  	s11 =	simm.s32 $0x200  }
0x25: {  	[tilespmem:s24], [sflag:$0x3] =	stream.indirect.gather [hbm4b:s4+s16], $0x40, s11, s16, $0xb8;
	[tilespmem:$0x16400] =	vst v63  }
0x26: {  	s12 =	simm.s32 $0x280  }
0x27: {  	[tilespmem:s26], [sflag:$0x3] =	stream.indirect.gather [hbm4b:s4+s16], $0x40, s12, s16, $0xb8;
	[tilespmem:$0x16400] =	vst v63  }
0x28: {  	_ =	swait.ge [sflag:s28], $0x2000  }
0x29: {  	[sflag:s28] =	ssyncset.done $0x0  }
0x2a: {  	[sflag:s28] =	ssyncadd.s32 $0xFFFFE000  }
0x2b: {  	_ =	swait.ge [sflag:s28], $0x2000  }
0x2c: {  	[sflag:s28] =	ssyncset.done $0x0  }
0x2d: {  	s14 =	rddreg [dreg:$0x4];
	[sflag:s28] =	ssyncadd.s32 $0xFFFFE000  }
0x2e: {  	[hbm4b:s14+s3] =	stream.linear.scatter [tilespmem:s17], [sflag:$0x5], $0x4000, $0x38;
	[tilespmem:$0x16400] =	vst v63  }
0x2f: {  	s7 =	simm.s32 $0x300  }
0x30: {  	[tilespmem:s30], [sflag:$0x4] =	stream.indirect.gather [hbm4b:s4+s16], $0x40, s7, s16, $0xb8;
	[tilespmem:$0x16400] =	vst v63  }
0x31: {  	s8 =	simm.s32 $0x380  }
0x32: {  	[tilespmem:s1], [sflag:$0x4] =	stream.indirect.gather [hbm4b:s4+s16], $0x40, s8, s16, $0xb8;
	[tilespmem:$0x16400] =	vst v63  }
0x33: {  	_ =	swait.ge [sflag:s0], $0x2000  }
0x34: {  	[sflag:s0] =	ssyncset.done $0x0  }
0x35: {  	[sflag:s0] =	ssyncadd.s32 $0xFFFFE000  }
0x36: {  	_ =	swait.ge [sflag:s0], $0x2000  }
0x37: {  	[sflag:s0] =	ssyncset.done $0x0  }
0x38: {  	s9 =	rddreg [dreg:$0x5];
	[sflag:s0] =	ssyncadd.s32 $0xFFFFE000  }
0x39: {  	[hbm4b:s9+s3] =	stream.linear.scatter [tilespmem:s20], [sflag:$0x6], $0x4000, $0x38;
	[tilespmem:$0x16400] =	vst v63  }
0x3a: {  	_ =	swait.ge [sflag:s19], $0x4000  }
0x3b: {  	[sflag:s19] =	ssyncset.done $0x0  }
0x3c: {  	s10 =	simm.s32 $0x400;
	[sflag:s19] =	ssyncadd.s32 $0xFFFFC000  }
0x3d: {  	[tilespmem:s17], [sflag:$0x1] =	stream.indirect.gather [hbm4b:s4+s16], $0x40, s10, s16, $0xb8;
	[tilespmem:$0x16400] =	vst v63  }
0x3e: {  	s11 =	simm.s32 $0x480  }
0x3f: {  	[tilespmem:s18], [sflag:$0x1] =	stream.indirect.gather [hbm4b:s4+s16], $0x40, s11, s16, $0xb8;
	[tilespmem:$0x16400] =	vst v63  }
0x40: {  	_ =	swait.ge [sflag:s21], $0x2000  }
0x41: {  	[sflag:s21] =	ssyncset.done $0x0  }
0x42: {  	[sflag:s21] =	ssyncadd.s32 $0xFFFFE000  }
0x43: {  	_ =	swait.ge [sflag:s21], $0x2000  }
0x44: {  	[sflag:s21] =	ssyncset.done $0x0  }
0x45: {  	s11 =	rddreg [dreg:$0xa];
	[sflag:s21] =	ssyncadd.s32 $0xFFFFE000  }
0x46: {  	[hbm4b:s11+s3] =	stream.linear.scatter [tilespmem:s24], [sflag:$0x7], $0x4000, $0x38;
	[tilespmem:$0x16400] =	vst v63  }
0x47: {  	_ =	swait.ge [sflag:s23], $0x4000  }
0x48: {  	[sflag:s23] =	ssyncset.done $0x0  }
0x49: {  	s12 =	simm.s32 $0x500;
	[sflag:s23] =	ssyncadd.s32 $0xFFFFC000  }
0x4a: {  	[tilespmem:s20], [sflag:$0x2] =	stream.indirect.gather [hbm4b:s4+s16], $0x40, s12, s16, $0xb8;
	[tilespmem:$0x16400] =	vst v63  }
0x4b: {  	s14 =	simm.s32 $0x580  }
0x4c: {  	[tilespmem:s22], [sflag:$0x2] =	stream.indirect.gather [hbm4b:s4+s16], $0x40, s14, s16, $0xb8;
	[tilespmem:$0x16400] =	vst v63  }
0x4d: {  	_ =	swait.ge [sflag:s25], $0x2000  }
0x4e: {  	[sflag:s25] =	ssyncset.done $0x0  }
0x4f: {  	[sflag:s25] =	ssyncadd.s32 $0xFFFFE000  }
0x50: {  	_ =	swait.ge [sflag:s25], $0x2000  }
0x51: {  	[sflag:s25] =	ssyncset.done $0x0  }
0x52: {  	s10 =	rddreg [dreg:$0x9];
	[sflag:s25] =	ssyncadd.s32 $0xFFFFE000  }
0x53: {  	[hbm4b:s10+s3] =	stream.linear.scatter [tilespmem:s30], [sflag:$0x8], $0x4000, $0x38;
	[tilespmem:$0x16400] =	vst v63  }
0x54: {  	_ =	swait.ge [sflag:s29], $0x4000  }
0x55: {  	[sflag:s29] =	ssyncset.done $0x0  }
0x56: {  	s7 =	simm.s32 $0x600;
	[sflag:s29] =	ssyncadd.s32 $0xFFFFC000  }
0x57: {  	[tilespmem:s24], [sflag:$0x3] =	stream.indirect.gather [hbm4b:s4+s16], $0x40, s7, s16, $0xb8;
	[tilespmem:$0x16400] =	vst v63  }
0x58: {  	s8 =	simm.s32 $0x680  }
0x59: {  	[tilespmem:s26], [sflag:$0x3] =	stream.indirect.gather [hbm4b:s4+s16], $0x40, s8, s16, $0xb8;
	[tilespmem:$0x16400] =	vst v63  }
0x5a: {  	_ =	swait.ge [sflag:s28], $0x2000  }
0x5b: {  	[sflag:s28] =	ssyncset.done $0x0  }
0x5c: {  	[sflag:s28] =	ssyncadd.s32 $0xFFFFE000  }
0x5d: {  	_ =	swait.ge [sflag:s28], $0x2000  }
0x5e: {  	s9 =	sshrl.u32 s13, $0x3;
	[sflag:s28] =	ssyncset.done $0x0  }
0x5f: {  	s6 =	sadd.s32 s2, s9;
	[sflag:s28] =	ssyncadd.s32 $0xFFFFE000  }
0x60: {  	[hbm4b:s6+s3] =	stream.linear.scatter [tilespmem:s17], [sflag:$0x5], $0x4000, $0x38;
	[tilespmem:$0x16400] =	vst v63  }
0x61: {  	_ =	swait.ge [sflag:s31], $0x4000  }
0x62: {  	[sflag:s31] =	ssyncset.done $0x0  }
0x63: {  	s12 =	simm.s32 $0x700;
	[sflag:s31] =	ssyncadd.s32 $0xFFFFC000  }
0x64: {  	[tilespmem:s30], [sflag:$0x4] =	stream.indirect.gather [hbm4b:s4+s16], $0x40, s12, s16, $0xb8;
	[tilespmem:$0x16400] =	vst v63  }
0x65: {  	s14 =	simm.s32 $0x780  }
0x66: {  	[tilespmem:s1], [sflag:$0x4] =	stream.indirect.gather [hbm4b:s4+s16], $0x40, s14, s16, $0xb8;
	[tilespmem:$0x16400] =	vst v63  }
0x67: {  	_ =	swait.ge [sflag:s0], $0x2000  }
0x68: {  	[sflag:s0] =	ssyncset.done $0x0  }
0x69: {  	[sflag:s0] =	ssyncadd.s32 $0xFFFFE000  }
0x6a: {  	s9 =	sadd.s32 $0x2000, s15;
	s10 =	sadd.s32 $0x2000, s10;
	_ =	swait.ge [sflag:s0], $0x2000  }
0x6b: {  	s7 =	simm.s32 $0x1000;
	s8 =	sadd.s32 $0x10000, s13;
	[sflag:s0] =	ssyncset.done $0x0  }
0x6c: {  	s6 =	sadd.s32 $0x2000, s11;
	s14 =	smov.u32 s15;
	[sflag:s0] =	ssyncadd.s32 $0xFFFFE000  }
.LBB2_2:
0x6d: {  	[hbm4b:s14+s3] =	stream.linear.scatter [tilespmem:s20], [sflag:$0x6], $0x4000, $0x38;
	[tilespmem:$0x16400] =	vst v63  }
0x6e: {  	s11 =	smov.u32 s7;
	s14 =	smov.u32 s9  }
0x6f: {  	p0 =	sne.s32 s7, $0x17000;
	s7 =	sadd.s32 $0x1000, s7;
	_ =	swait.ge [sflag:s19], $0x4000  }
0x70: {  	s11 =	sshra.s32 s11, $0x2;
	[sflag:s19] =	ssyncset.done $0x0  }
0x71: {  	s12 =	sadd.s32 $0x400, s11;
	[sflag:s19] =	ssyncadd.s32 $0xFFFFC000  }
0x72: {  	[tilespmem:s17], [sflag:$0x1] =	stream.indirect.gather [hbm4b:s4+s16], $0x40, s12, s16, $0xb8;
	[tilespmem:$0x16400] =	vst v63  }
0x73: {  	s12 =	sadd.s32 $0x480, s11  }
0x74: {  	[tilespmem:s18], [sflag:$0x1] =	stream.indirect.gather [hbm4b:s4+s16], $0x40, s12, s16, $0xb8;
	[tilespmem:$0x16400] =	vst v63  }
0x75: {  	_ =	swait.ge [sflag:s21], $0x2000  }
0x76: {  	[sflag:s21] =	ssyncset.done $0x0  }
0x77: {  	[sflag:s21] =	ssyncadd.s32 $0xFFFFE000  }
0x78: {  	_ =	swait.ge [sflag:s21], $0x2000  }
0x79: {  	[sflag:s21] =	ssyncset.done $0x0  }
0x7a: {  	[sflag:s21] =	ssyncadd.s32 $0xFFFFE000  }
0x7b: {  	[hbm4b:s6+s3] =	stream.linear.scatter [tilespmem:s24], [sflag:$0x7], $0x4000, $0x38;
	[tilespmem:$0x16400] =	vst v63  }
0x7c: {  	_ =	swait.ge [sflag:s23], $0x4000  }
0x7d: {  	[sflag:s23] =	ssyncset.done $0x0  }
0x7e: {  	s12 =	sadd.s32 $0x500, s11;
	[sflag:s23] =	ssyncadd.s32 $0xFFFFC000  }
0x7f: {  	[tilespmem:s20], [sflag:$0x2] =	stream.indirect.gather [hbm4b:s4+s16], $0x40, s12, s16, $0xb8;
	[tilespmem:$0x16400] =	vst v63  }
0x80: {  	s12 =	sadd.s32 $0x580, s11  }
0x81: {  	[tilespmem:s22], [sflag:$0x2] =	stream.indirect.gather [hbm4b:s4+s16], $0x40, s12, s16, $0xb8;
	[tilespmem:$0x16400] =	vst v63  }
0x82: {  	_ =	swait.ge [sflag:s25], $0x2000  }
0x83: {  	[sflag:s25] =	ssyncset.done $0x0  }
0x84: {  	[sflag:s25] =	ssyncadd.s32 $0xFFFFE000  }
0x85: {  	_ =	swait.ge [sflag:s25], $0x2000  }
0x86: {  	[sflag:s25] =	ssyncset.done $0x0  }
0x87: {  	[sflag:s25] =	ssyncadd.s32 $0xFFFFE000  }
0x88: {  	[hbm4b:s10+s3] =	stream.linear.scatter [tilespmem:s30], [sflag:$0x8], $0x4000, $0x38;
	[tilespmem:$0x16400] =	vst v63  }
0x89: {  	_ =	swait.ge [sflag:s29], $0x4000  }
0x8a: {  	[sflag:s29] =	ssyncset.done $0x0  }
0x8b: {  	s12 =	sadd.s32 $0x600, s11;
	[sflag:s29] =	ssyncadd.s32 $0xFFFFC000  }
0x8c: {  	[tilespmem:s24], [sflag:$0x3] =	stream.indirect.gather [hbm4b:s4+s16], $0x40, s12, s16, $0xb8;
	[tilespmem:$0x16400] =	vst v63  }
0x8d: {  	s12 =	sadd.s32 $0x680, s11  }
0x8e: {  	[tilespmem:s26], [sflag:$0x3] =	stream.indirect.gather [hbm4b:s4+s16], $0x40, s12, s16, $0xb8;
	[tilespmem:$0x16400] =	vst v63  }
0x8f: {  	_ =	swait.ge [sflag:s28], $0x2000  }
0x90: {  	[sflag:s28] =	ssyncset.done $0x0  }
0x91: {  	[sflag:s28] =	ssyncadd.s32 $0xFFFFE000  }
0x92: {  	_ =	swait.ge [sflag:s28], $0x2000  }
0x93: {  	s12 =	sshrl.u32 s8, $0x3;
	[sflag:s28] =	ssyncset.done $0x0  }
0x94: {  	s12 =	sadd.s32 s2, s12;
	[sflag:s28] =	ssyncadd.s32 $0xFFFFE000  }
0x95: {  	[hbm4b:s12+s3] =	stream.linear.scatter [tilespmem:s17], [sflag:$0x5], $0x4000, $0x38;
	[tilespmem:$0x16400] =	vst v63  }
0x96: {  	_ =	swait.ge [sflag:s31], $0x4000  }
0x97: {  	[sflag:s31] =	ssyncset.done $0x0  }
0x98: {  	s12 =	sadd.s32 $0x700, s11;
	[sflag:s31] =	ssyncadd.s32 $0xFFFFC000  }
0x99: {  	[tilespmem:s30], [sflag:$0x4] =	stream.indirect.gather [hbm4b:s4+s16], $0x40, s12, s16, $0xb8;
	[tilespmem:$0x16400] =	vst v63  }
0x9a: {  	s11 =	sadd.s32 $0x780, s11  }
0x9b: {  	[tilespmem:s1], [sflag:$0x4] =	stream.indirect.gather [hbm4b:s4+s16], $0x40, s11, s16, $0xb8;
	[tilespmem:$0x16400] =	vst v63  }
0x9c: {  	_ =	swait.ge [sflag:s0], $0x2000  }
.Ltmp0:
0x9d: {  	[sflag:s0] =	ssyncset.done $0x0;
	(pc) =	sbr.rel @p0 .LBB2_2-.Ltmp0, $4  }
0x9e: {  	[sflag:s0] =	ssyncadd.s32 $0xFFFFE000  }
0x9f: {  	_ =	swait.ge [sflag:s0], $0x2000  }
0xa0: {  	s9 =	sadd.s32 $0x2000, s9;
	s8 =	sadd.s32 $0x10000, s8;
	[sflag:s0] =	ssyncset.done $0x0  }
0xa1: {  	s6 =	sadd.s32 $0x2000, s6;
	s10 =	sadd.s32 $0x2000, s10;
	[sflag:s0] =	ssyncadd.s32 $0xFFFFE000  }
0xa2: {  	[hbm4b:s14+s3] =	stream.linear.scatter [tilespmem:s20], [sflag:$0x6], $0x4000, $0x38;
	[tilespmem:$0x16400] =	vst v63  }
0xa3: {  	_ =	swait.ge [sflag:s21], $0x2000  }
0xa4: {  	[sflag:s21] =	ssyncset.done $0x0  }
0xa5: {  	[sflag:s21] =	ssyncadd.s32 $0xFFFFE000  }
0xa6: {  	_ =	swait.ge [sflag:s21], $0x2000  }
0xa7: {  	[sflag:s21] =	ssyncset.done $0x0  }
0xa8: {  	s6 =	rddreg [dreg:$0x6];
	[sflag:s21] =	ssyncadd.s32 $0xFFFFE000  }
0xa9: {  	[hbm4b:s6+s3] =	stream.linear.scatter [tilespmem:s24], [sflag:$0x7], $0x4000, $0x38;
	[tilespmem:$0x16400] =	vst v63  }
0xaa: {  	_ =	swait.ge [sflag:s25], $0x2000  }
0xab: {  	[sflag:s25] =	ssyncset.done $0x0  }
0xac: {  	[sflag:s25] =	ssyncadd.s32 $0xFFFFE000  }
0xad: {  	_ =	swait.ge [sflag:s25], $0x2000  }
0xae: {  	[sflag:s25] =	ssyncset.done $0x0  }
0xaf: {  	s12 =	rddreg [dreg:$0x7];
	[sflag:s25] =	ssyncadd.s32 $0xFFFFE000  }
0xb0: {  	[hbm4b:s12+s3] =	stream.linear.scatter [tilespmem:s30], [sflag:$0x8], $0x4000, $0x38;
	[tilespmem:$0x16400] =	vst v63  }
0xb1: {  	_ =	swait.ge [sflag:s19], $0x4000  }
0xb2: {  	[sflag:s19] =	ssyncset.done $0x0  }
0xb3: {  	[sflag:s19] =	ssyncadd.s32 $0xFFFFC000  }
0xb4: {  	_ =	swait.ge [sflag:s23], $0x4000  }
0xb5: {  	[sflag:s23] =	ssyncset.done $0x0  }
0xb6: {  	[sflag:s23] =	ssyncadd.s32 $0xFFFFC000  }
0xb7: {  	_ =	swait.ge [sflag:s29], $0x4000  }
0xb8: {  	[sflag:s29] =	ssyncset.done $0x0  }
0xb9: {  	[sflag:s29] =	ssyncadd.s32 $0xFFFFC000  }
0xba: {  	_ =	swait.ge [sflag:s31], $0x4000  }
0xbb: {  	s5 =	sadd.s32 $0x1, s5;
	s14 =	rddreg [dreg:$0x8]  }
0xbc: {  	p0 =	sne.s32 s5, s14  }
.Ltmp1:
0xbd: {  	_ = 	snop;
	(pc) =	sbr.rel @p0 .LBB2_1-.Ltmp1, $3  }
0xbe: {  	_ =	sdelay $0x1  }
0xbf: {  	[sflag:s31] =	ssyncset.done $0x0  }
0xc0: {  	[sflag:s31] =	ssyncadd.s32 $0xFFFFC000  }
0xc1: {  	_ =	sfence.sel $0x180000  }
0xc2: {  	[bflag:$0x0] =	sbarrier.arrive $0xFFFF  }
0xc3: {  	_ =	strace $0x90000047  }
0xc4: {  	s0 =	stileid.u32;
	[bflag:$0x2] =	sbarrier.arrive $0xFFFF  }
0xc5: {  	p0 =	sne.s32 s0, $0x0;
	s0 =	rddreg [dreg:$0x2]  }
0xc6: {  	s0 =	sadd.s32 @!p0 $0x100000, s0  }
0xc7: {  	[sflag:s0] =	ssyncadd.tile.s32 @!p0 $0x1;
	_ =	shalt  }
.Lfunc_end2:
_tile_overlayer_lowered:
.L_overlay_start_2:
0xc8: {  	(tag) =	ssettag $0x2  }
0xc9: {  	s0 =	rddreg [dreg:$0x0];
	s2 =	stileid.u32  }
0xca: {  	s1 =	rddreg [dreg:$0x1];
	p0 =	sne.s32 s2, $0x0  }
0xcb: {  	s3 =	rddreg [dreg:$0x2];
	[bflag:$0x3] =	sbarrier.arrive $0xFFFF;
	s2 =	simm.s32 @!p0 $0x1C09  }
0xcc: {  	[timem:s3], [sflag:s2] =	dma.local @!p0 [hbm:s0], s1  }
0xcd: {  	s0 =	simm.s32 @!p0 $0x9  }
0xce: {  	_ =	swait.ge @!p0 [sflag:s0], s1  }
0xcf: {  	s1 =	ssub.s32 @!p0 $0x0, s1;
	[sflag:s0] =	ssyncset.done @!p0 $0x0  }
0xd0: {  	[sflag:s0] =	ssyncadd.s32 @!p0 s1  }
0xd1: {  	[bflag:$0x3] =	sbarrier.arrive $0xFFFF  }
0xd2: {  	_ =	shalt  }

// kernel: sparse-core-data-format-call.cloned.1.call-start
scs
called_computation_lowered:
.L_overlay_start_0:
0x0: {  	s2 =	sld [smem:$0x3FD9]  }
0x1: {  	s3 =	sld [smem:$0x3FFE];
	_ =	sdelay $0x1  }
0x2: {  	s1 =	srdreg.scid  }
0x3: {  	s0 =	sand.u32 $0x1, s1  }
0x4: {  	s18 =	sshll.u32 s0, $0xA;
	s2 =	sadd.s32 s3, s2  }
0x5: {  	s2 =	sadd.s32 s2, s18  }
0x6: {  	[smem:$0x3FC6] =	sst s2  }
0x7: {  	_ = 	snop  }
0x8: {  	s2 =	sld [smem:$0x3FD0];
	(tm) =	ssettm $0x1  }
0x9: {  	s19 =	sld [smem:$0x3FFB];
	_ =	sdelay $0x3  }
0xa: {  	_ =	strace s19  }
0xb: {  	s3 =	sld [smem:$0x3FFC];
	_ =	sdelay $0x3  }
0xc: {  	_ =	strace s3  }
0xd: {  	s3 =	sld [smem:$0x3FFD];
	_ =	sdelay $0x3  }
0xe: {  	_ =	strace s3  }
0xf: {  	_ =	strace $0x8FFFFFFF  }
0x10: {  	s20 =	sld [smem:$0x3FDB];
	_ =	sdelay $0x1  }
0x11: {  	s4 =	simm.s32 $_scs_section_size  }
0x12: {  	s5 =	simm.s32 $_size__tile_overlayer_lowered;
	s6 =	simm.s32 $_tile_overlayer_lowered  }
0x13: {  	s23 =	simm.s32 $0x1BFF;
	s22 =	sshll.u32 s6, $0x1;
	s3 =	sadd.s32 s4, s20  }
0x14: {  	s7 =	simm.s32 $0x0;
	s21 =	sshll.u32 s5, $0x1;
	s5 =	sadd.s32 s22, s3  }
0x15: {  	[timem:s7], [sflag:s23] =	dma.local [hbm:s5], s21  }
0x16: {  	_ =	swait.ge [sflag:s23], s21  }
0x17: {  	s4 =	ssub.s32 $0x0, s21;
	[sflag:s23] =	ssyncset.done $0x0  }
0x18: {  	[sflag:s23] =	ssyncadd.s32 s4;
	_ =	sdelay $0x1  }
0x19: {  	s24 =	simm.s32 $0x1B8B  }
0x1a: {  	_ =	swait.ge [sflag:s24], $0x1  }
0x1b: {  	[sflag:s24] =	ssyncset.done $0x0  }
0x1c: {  	s26 =	simm.s32 $0x1B8E;
	s25 =	sld [smem:$0x3FFE];
	[sflag:s24] =	ssyncadd.s32 $0xFFFFFFFF  }
0x1d: {  	s27 =	simm.s32 $execute0_lowered;
	[smem:$0x3FD2] =	sst s26  }
0x1e: {  	s5 =	sshll.u32 s27, $0x1;
	_ =	strace $0x80000049;
	[dreg:$0x1] =	wrdreg $0xFFFFFFFF  }
0x1f: {  	s28 =	simm.s32 $_size_execute0_lowered;
	s3 =	sadd.s32 s3, s5;
	[dreg:$0x0] =	wrdreg $0x0  }
0x20: {  	s5 =	sshll.u32 s28, $0x1;
	[dreg:$0x2] =	wrdreg s3  }
0x21: {  	[dreg:$0x3] =	wrdreg s5  }
0x22: {  	[dreg:$0x4] =	wrdreg $0xC0  }
0x23: {  	_ =	task [dreg:s7], $0x5FFFF  }
0x24: {  	[dreg:$0x1] =	wrdreg $0xFFFFFFFF  }
0x25: {  	[dreg:$0x0] =	wrdreg $0x60  }
0x26: {  	[dreg:$0x2] =	wrdreg s25  }
0x27: {  	[dreg:$0x3] =	wrdreg s2  }
0x28: {  	[dreg:$0x4] =	wrdreg $0x9  }
0x29: {  	_ =	task.clear_ibuf [dreg:s7], $0x5FFFF;
	_ =	strace $0x90000049  }
0x2a: {  	s29 =	simm.s32 $0x9;
	_ =	strace $0x8000004B  }
0x2b: {  	_ =	swait.ge [sflag:s29], $0x1  }
0x2c: {  	[sflag:s29] =	ssyncadd.s32 $0xFFFFFFFF  }
0x2d: {  	_ =	strace $0x9000004B  }
0x2e: {  	_ =	sfence  }
0x2f: {  	s30 =	sld [smem:$0x0];
	_ =	sdelay $0x2  }
0x30: {  	s31 =	sshll.u32 s1, $0xD;
	s1 =	sshrl.u32 s1, $0x2  }
0x31: {  	s3 =	sand.u32 $0x4000, s31;
	s1 =	sadd.s32 s1, s30  }
0x32: {  	s0 =	sor.u32 s3, s0;
	s1 =	sshll.u32 s1, $0x11  }
0x33: {  	s0 =	sor.u32 s1, s0  }
0x34: {  	s0 =	sadd.s32 $0x8F2B, s0  }
0x35: {  	[sflag:s0] =	ssyncadd.remote.s32 $0x1  }
0x36: {  	_ =	sfence.sel $0xFFFF  }
0x37: {  	[dreg:$0x0] =	wrdreg $0xFFFFFFFF;
	(pc) =	sbr.abs _section_cstart, $3  }
0x38: {  	[dreg:$0x1] =	wrdreg $0xFFFFFFFF  }
0x39: {  	_ =	task.clear_ibuf [dreg:s7], $0x2FFFF;
	_ =	strace $0x9FFFFFFF  }
0x3a: {  	(tm) =	ssettm $0x7FFFFFFF  }
0x3b: {  	_ =	shalt  }
tec
execute0_lowered:
.L_overlay_start_1:
0x0: {  	(tag) =	ssettag $0x1  }
0x1: {  	s0 =	srdreg.scid  }
0x2: {  	s1 =	sshll.u32 s0, $0x4  }
0x3: {  	s0 =	stileid.u32;
	s1 =	sand.u32 $0x10, s1  }
0x4: {  	s1 =	sor.u32 s0, s1  }
0x5: {  	s6 =	rddreg [dreg:$0x0];
	s4 =	simm.s32 $0x1;
	s2 =	sshll.u32 s1, $0x7  }
0x6: {  	s7 =	simm.s32 $0x2;
	s12 =	simm.s32 $0x0;
	s1 =	ssub.s32 $0x1000, s2  }
0x7: {  	s8 =	simm.s32 $0x8000;
	s13 =	simm.s32 $0x0;
	s3 =	sand.u32 $0xF80, s1  }
0x8: {  	s9 =	simm.s32 $0x0;
	s5 =	sshrl.u32 s1, $0xC;
	p0 =	sne.s32 s3, $0x0  }
.Ltmp0:
0x9: {  	s1 =	rddreg [dreg:$0x2];
	s4 =	simm.s32 @!p0 $0x0;
	(pc) =	sbr.rel .LBB1_1-.Ltmp0, $4  }
0xa: {  	s11 =	simm.s32 $0x0;
	s3 =	rddreg [dreg:$0x1];
	s5 =	sadd.s32 s4, s5  }
0xb: {  	_ =	strace $0x8000004A;
	s4 =	simm.s32 $0x1;
	s5 =	smul.u32 $0xC8, s5  }
0xc: {  	s6 =	sadd.s32 $0xA00, s6;
	s10 =	smov.u32 s2;
	[sflag:s4] =	ssyncpa.u1 $0x0  }
0xd: {  	p0 =	por $0x0, $0x0;
	[sflag:s7] =	ssyncpa.u1 $0x0;
	s7 =	sor.u32 $0x1, s5  }
.LBB1_4:
0xe: {  	s16 =	sshll.u32 s13, $0x3;
	s17 =	sand.u32 $0x78, s13  }
0xf: {  	s30 =	sand.u32 $0x7E00, s13;
	s12 =	sshll.u32 s12, $0xF;
	s16 =	sand.u32 $0xC00, s16  }
0x10: {  	[tilespmem:s15+$0x810 ss:$0x81] =	vst.msk $0xffff, v2;
	s31 =	sand.u32 $0x7, s13;
	s16 =	sor.u32 s17, s16;
	s17 =	sadd.s32 s3, s30  }
0x11: {  	[tilespmem:s15+$0x1020 ss:$0x81] =	vst.msk $0xffff, v0;
	s13 =	sshll.u32 s31, $0x12;
	s12 =	sadd.s32 s12, s17;
	s16 =	sshrl.u32 s16, $0x3  }
0x12: {  	[tilespmem:s15+$0x0 ss:$0x81] =	vst.msk $0xffff, v1;
	s13 =	sor.u32 $0x400, s13;
	s12 =	sadd.s32 s16, s12  }
0x13: {  	[hbm4b:s12+s13] =	stream.strided.scatter [tilespmem:s14], [sflag:$0x2], $0x2000, s8, s13, $0x20;
	[tilespmem:$0x8080] =	vst v63  }
.LBB1_5:
0x14: {  	s14 =	sadd.s32 $0x1, s9  }
0x15: {  	s12 =	sadd.s32 $0x1000, s10;
	s16 =	smov.u32 s10;
	p2 =	sgt.s32 s14, $0xC7  }
0x16: {  	s16 =	smov.u32 @p2 s12  }
0x17: {  	s14 =	simm.s32 @p2 $0x0;
	p2 =	sgt.s32 s16, $0xFFF  }
0x18: {  	s16 =	smov.u32 @p2 s2;
	p2 =	sne.s32 s11, s7  }
.Ltmp1:
0x19: {  	p1 =	slt.u32 s11, $0x2;
	(pc) =	sbr.rel @!p2 .LBB1_6-.Ltmp1, $4  }
0x1a: {  	s15 =	simm.s32 @!p1 $0x2  }
0x1b: {  	s13 =	smov.u32 s10;
	p0 =	por !p0, !p0;
	_ =	swait.ge @!p1 [sflag:s15], $0x2000  }
0x1c: {  	s12 =	smov.u32 s9;
	[sflag:s15] =	ssyncset.done @!p1 $0x0;
	s9 =	smov.u32 s14  }
0x1d: {  	s11 =	sadd.s32 $0x1, s11;
	[sflag:s15] =	ssyncadd.s32 @!p1 $0xFFFFE000;
	s10 =	smov.u32 s16  }
.LBB1_1:
0x1e: {  	p1 =	sge.u32 s11, s5  }
0x1f: {  	s14 =	sand.u32 @!p1 $0x1FFFFFF, s9  }
0x20: {  	s15 =	smulhi.u32 @!p1 $0x147AE15, s14;
	_ =	sdelay $0x1  }
0x21: {  	s15 =	smul.u32 @!p1 $0xC8, s15  }
0x22: {  	s16 =	sxor.u32 @!p1 $0xFFFFFFFF, s11;
	s17 =	smul.u32 @!p1 $0xC80, s10  }
0x23: {  	s31 =	sadd.s32 $0xFFFFFFFF, s11;
	s16 =	sshll.u32 @!p1 s16, $0xD;
	s14 =	ssub.s32 @!p1 s14, s15  }
0x24: {  	s15 =	sand.u32 @!p1 $0x2000, s16;
	s16 =	sadd.s32 @!p1 s6, s17;
	s14 =	sshll.u32 @!p1 s14, $0x4  }
0x25: {  	s17 =	simm.s32 @!p1 $0x6400;
	s14 =	sadd.s32 @!p1 s14, s16;
	s16 =	simm.s32 @!p1 $0x40  }
0x26: {  	[tilespmem:s15], [sflag:$0x1] =	stream.strided.gather @!p1 [hbm4b:s14+s16], $0x2000, s17, s16, $0x38;
	[tilespmem:$0x8080] =	vst v63  }
0x27: {  	p1 =	sge.u32 s31, s5  }
.Ltmp2:
0x28: {  	_ = 	snop;
	(pc) =	sbr.rel @p1 .LBB1_5-.Ltmp2, $1  }
0x29: {  	_ =	sdelay $0x3  }
0x2a: {  	s14 =	simm.s32 $0x1  }
0x2b: {  	_ =	swait.ge [sflag:s4], $0x2000;
	s14 =	simm.s32 @!p0 $0x0  }
0x2c: {  	[sflag:s4] =	ssyncset.done $0x0;
	s15 =	sshll.u32 s14, $0xD  }
0x2d: {  	[sflag:s4] =	ssyncadd.s32 $0xFFFFE000;
	s18 =	sor.u32 $0x20, s15  }
0x2e: {  	s14 =	smul.u32 $0x8100, s14;
	v3 =	vld [tilespmem:s18+$0x10]  }
0x2f: {  	s30 =	sand.u32 $0x1, s11;
	v2 =	vld [tilespmem:s18+$0xFFFFFFF0]  }
0x30: {  	s15 =	smul.u32 $0x8100, s30;
	s14 =	sshrl.u32 s14, $0x2;
	v0 =	vld [tilespmem:s18+$0x0]  }
0x31: {  	v1 =	vld [tilespmem:s18+$0xFFFFFFE0];
	s16 =	sor.u32 $0x4000, s14  }
0x32: {  	s31 =	sshrl.u32 s15, $0x2;
	s15 =	sadd.s32 $0x0, s16  }
0x33: {  	s17 =	simm.s32 $0x4;
	s18 =	sadd.s32 $0x40, s18;
	s14 =	sor.u32 $0x4000, s31;
	[tilespmem:s15+$0x1830 ss:$0x81] =	vst.msk $0xffff, v3  }
.LBB1_3:
0x34: {  	v3 =	vld [tilespmem:s18+$0x10];
	p1 =	sne.s32 s17, $0x1FC;
	[tilespmem:s15+$0x810 ss:$0x81] =	vst.msk $0xffff, v2;
	s19 =	smov.u32 s17;
	s17 =	sadd.s32 $0x4, s17  }
.Ltmp3:
0x35: {  	v2 =	vld [tilespmem:s18+$0xFFFFFFF0];
	[tilespmem:s15+$0x1020 ss:$0x81] =	vst.msk $0xffff, v0;
	(pc) =	sbr.rel @p1 .LBB1_3-.Ltmp3, $4  }
0x36: {  	v0 =	vld [tilespmem:s18+$0x0];
	[tilespmem:s15+$0x0 ss:$0x81] =	vst.msk $0xffff, v1  }
0x37: {  	s15 =	sshra.s32 s19, $0x2;
	v1 =	vld [tilespmem:s18+$0xFFFFFFE0]  }
0x38: {  	s15 =	sadd.s32 s15, s16  }
0x39: {  	s18 =	sadd.s32 $0x40, s18;
	[tilespmem:s15+$0x1830 ss:$0x81] =	vst.msk $0xffff, v3  }
.Ltmp4:
0x3a: {  	_ = 	snop;
	(pc) =	sbr.rel .LBB1_4-.Ltmp4, $1  }
0x3b: {  	_ =	sdelay $0x3  }
.LBB1_6:
0x3c: {  	_ =	sfence.sel $0x180000  }
0x3d: {  	s2 =	simm.s32 $0x1;
	[bflag:$0x0] =	sbarrier.arrive $0xFFFF  }
0x3e: {  	s31 =	simm.s32 $0x2;
	[sflag:s2] =	ssyncpa.u1 $0x1  }
0x3f: {  	[sflag:s31] =	ssyncpa.u1 $0x1  }
0x40: {  	p0 =	sne.s32 s0, $0x0;
	_ =	strace $0x9000004A  }
0x41: {  	s0 =	sadd.s32 @!p0 $0x100000, s1;
	[bflag:$0x2] =	sbarrier.arrive $0xFFFF  }
0x42: {  	[sflag:s0] =	ssyncadd.tile.s32 @!p0 $0x1;
	_ =	shalt  }
.Lfunc_end1:
_tile_overlayer_lowered:
.L_overlay_start_2:
0x43: {  	(tag) =	ssettag $0x2  }
0x44: {  	s0 =	rddreg [dreg:$0x0];
	s2 =	stileid.u32  }
0x45: {  	s1 =	rddreg [dreg:$0x1];
	p0 =	sne.s32 s2, $0x0  }
0x46: {  	s3 =	rddreg [dreg:$0x2];
	[bflag:$0x3] =	sbarrier.arrive $0xFFFF;
	s2 =	simm.s32 @!p0 $0x1C01  }
0x47: {  	[timem:s3], [sflag:s2] =	dma.local @!p0 [hbm:s0], s1  }
0x48: {  	s0 =	simm.s32 @!p0 $0x1  }
0x49: {  	_ =	swait.ge @!p0 [sflag:s0], s1  }
0x4a: {  	s1 =	ssub.s32 @!p0 $0x0, s1;
	[sflag:s0] =	ssyncset.done @!p0 $0x0  }
0x4b: {  	[sflag:s0] =	ssyncadd.s32 @!p0 s1  }
0x4c: {  	[bflag:$0x3] =	sbarrier.arrive $0xFFFF  }
0x4d: {  	_ =	shalt  }

</sc_bundles>
